<compile_context>
chip_gen: v7x
topology: tpu7x:2x2x1
jax: 0.10.2.dev20260603
libtpu: 0.0.44.dev20260713+nightly
codegen_flags: <defaults>
</compile_context>

<pallas_src>
import dataclasses
import functools

import jax
import jax.numpy as jnp
from jax import lax
from jax.experimental import pallas as pl
from jax.experimental.pallas import tpu as pltpu
from jax.experimental.pallas import tpu_sc as plsc

B = 16384
D = 128
L = 16
NC = 2
NS = 16
NW = NC * NS
BPW = B // NW
C = 64


def _tree_sum(vs):
    while len(vs) > 1:
        vs = [a + b for a, b in zip(vs[::2], vs[1::2])]
    return vs[0]


def _sc_body(uid_hbm, mid_hbm, ut_hbm, mt_hbm, out_hbm,
             uid_v, mid_v, u0, u1, m0, m1, acc_v, o_v, *sems):
    wid = lax.axis_index("s") * NC + lax.axis_index("c")
    base = wid * BPW
    lane = lax.iota(jnp.int32, L)
    ubuf = (u0, u1)
    mbuf = (m0, m1)

    cu0 = pltpu.async_copy(uid_hbm.at[pl.ds(base, C)], uid_v.at[pl.ds(0, C)],
                           sems[0])
    cm0 = pltpu.async_copy(mid_hbm.at[pl.ds(base, C)], mid_v.at[pl.ds(0, C)],
                           sems[1])
    cu0.wait()
    cm0.wait()

    def issue(c0, b):
        pltpu.async_copy(ut_hbm.at[uid_v.at[pl.ds(c0, C)]], ubuf[b], sems[2 * b])
        pltpu.async_copy(mt_hbm.at[mid_v.at[pl.ds(c0, C)]], mbuf[b], sems[2 * b + 1])

    def wait(b):
        pltpu.make_async_copy(ut_hbm.at[uid_v.at[pl.ds(0, C)]], ubuf[b],
                              sems[2 * b]).wait()
        pltpu.make_async_copy(mt_hbm.at[mid_v.at[pl.ds(0, C)]], mbuf[b],
                              sems[2 * b + 1]).wait()

    def compute(c0, b):
        u_v, m_v = ubuf[b], mbuf[b]

        @pl.loop(0, C, step=L)
        def _(t0):
            @pl.loop(0, L, step=8)
            def _(jj):
                for j8 in range(8):
                    r = t0 + jj + j8
                    ps = [u_v[r, pl.ds(g * L, L)] * m_v[r, pl.ds(g * L, L)]
                          for g in range(D // L)]
                    acc_v[jj + j8, pl.ds(0, L)] = _tree_sum(ps)
            rows = [plsc.load_gather(acc_v, [lane, jnp.full((L,), j, jnp.int32)])
                    for j in range(L)]
            dv = _tree_sum(rows)
            o_v[pl.ds(c0 + t0, L)] = 10.0 / (1.0 + jnp.exp(-dv))

    issue(0, 0)
    pltpu.sync_copy(uid_hbm.at[pl.ds(base + C, BPW - C)], uid_v.at[pl.ds(C, BPW - C)])
    pltpu.sync_copy(mid_hbm.at[pl.ds(base + C, BPW - C)], mid_v.at[pl.ds(C, BPW - C)])

    @pl.loop(0, BPW, step=2 * C)
    def _(c0):
        issue(c0 + C, 1)
        wait(0)
        compute(c0, 0)

        @pl.when(c0 + 2 * C < BPW)
        def _():
            issue(c0 + 2 * C, 0)

        wait(1)
        compute(c0 + C, 1)

    pltpu.sync_copy(o_v, out_hbm.at[pl.ds(base, BPW)])


def kernel(user_id, movie_id, user_table, movie_table):
    mesh = plsc.VectorSubcoreMesh(core_axis_name="c", subcore_axis_name="s")
    cp = pltpu.CompilerParams()
    if "needs_layout_passes" in pltpu.CompilerParams.__dataclass_fields__:
        cp = dataclasses.replace(cp, needs_layout_passes=False)
    sc_k = functools.partial(
        pl.kernel,
        out_type=jax.ShapeDtypeStruct((B,), jnp.float32),
        mesh=mesh,
        compiler_params=cp,
        scratch_types=[
            pltpu.VMEM((BPW,), jnp.int32),
            pltpu.VMEM((BPW,), jnp.int32),
            pltpu.VMEM((C, D), jnp.float32),
            pltpu.VMEM((C, D), jnp.float32),
            pltpu.VMEM((C, D), jnp.float32),
            pltpu.VMEM((C, D), jnp.float32),
            pltpu.VMEM((L, L), jnp.float32),
            pltpu.VMEM((BPW,), jnp.float32),
            pltpu.SemaphoreType.DMA,
            pltpu.SemaphoreType.DMA,
            pltpu.SemaphoreType.DMA,
            pltpu.SemaphoreType.DMA,
        ],
    )(_sc_body)
    return sc_k(user_id, movie_id, user_table, movie_table)

# --- scband reference (transcript-rebuilt; emitter-appended) ---
"""Pipeline reference for scband-matrix-factorization-84439057039892 (READ-ONLY COPY).

The authoritative reference and input builder live on the scoring server;
editing this copy changes nothing except your own understanding.
"""

import jax, jax.numpy as jnp
import numpy as np

NUM_USERS = 100000
NUM_MOVIES = 100000
EMBED_DIM = 128
BATCH = 16384

def setup_inputs(seed: int = 0) -> dict:
    key = jax.random.key(seed)
    k1, k2, k3, k4 = jax.random.split(key, 4)
    user_id = jax.random.randint(k1, (BATCH,), 0, NUM_USERS, dtype=jnp.int64) if jax.config.jax_enable_x64 else jax.random.randint(k1, (BATCH,), 0, NUM_USERS, dtype=jnp.int32)
    movie_id = jax.random.randint(k2, (BATCH,), 0, NUM_MOVIES, dtype=jnp.int32)
    user_id = user_id.astype(jnp.int32)
    user_table = 0.1 * jax.random.normal(k3, (NUM_USERS, EMBED_DIM), dtype=jnp.float32)
    movie_table = 0.1 * jax.random.normal(k4, (NUM_MOVIES, EMBED_DIM), dtype=jnp.float32)
    return {"user_id": user_id, "movie_id": movie_id, "user_table": user_table, "movie_table": movie_table}

def reference(user_id, movie_id, user_table, movie_table):
    user_embedding = jnp.take(user_table, user_id, axis=0)
    movie_embedding = jnp.take(movie_table, movie_id, axis=0)
    dot_product = jnp.sum(user_embedding * movie_embedding, axis=1)
    output = jax.nn.sigmoid(dot_product)
    rating = 10.0 * output
    return rating

if __name__ == "__main__":
    import jax
    _d = setup_inputs()
    print(jax.jit(kernel)(*tuple(_d.values())))

</pallas_src>

<mosaic_0001>
#map = affine_map<(d0, d1) -> (0)>
#map1 = affine_map<(d0, d1) -> (0, 0)>
module attributes {stable_mosaic.version = 14 : i64} {
  func.func @_sc_body(%arg0: i32, %arg1: i32, %arg2: memref<16384xi32, #tpu.memory_space<hbm>>, %arg3: memref<16384xi32, #tpu.memory_space<hbm>>, %arg4: memref<100000x128xf32, #tpu.memory_space<hbm>>, %arg5: memref<100000x128xf32, #tpu.memory_space<hbm>>, %arg6: memref<16384xf32, #tpu.memory_space<hbm>>, %arg7: memref<512xi32, #tpu.memory_space<vmem>>, %arg8: memref<512xi32, #tpu.memory_space<vmem>>, %arg9: memref<64x128xf32, #tpu.memory_space<vmem>>, %arg10: memref<64x128xf32, #tpu.memory_space<vmem>>, %arg11: memref<64x128xf32, #tpu.memory_space<vmem>>, %arg12: memref<64x128xf32, #tpu.memory_space<vmem>>, %arg13: memref<16x16xf32, #tpu.memory_space<vmem>>, %arg14: memref<512xf32, #tpu.memory_space<vmem>>, %arg15: memref<!tpu.dma_semaphore, #tpu.memory_space<semaphore_mem>>, %arg16: memref<!tpu.dma_semaphore, #tpu.memory_space<semaphore_mem>>, %arg17: memref<!tpu.dma_semaphore, #tpu.memory_space<semaphore_mem>>, %arg18: memref<!tpu.dma_semaphore, #tpu.memory_space<semaphore_mem>>) attributes {dimension_semantics = [#tpu.dimension_semantics<core_parallel>, #tpu.dimension_semantics<subcore_parallel>], iteration_bounds = array<i64: 2, 16>, scalar_prefetch = 0 : i64, scratch_operands = 12 : i64, tpu.core_type = #tpu.core_type<sc_vector_subcore>, window_params = [{transform_indices = #map}, {transform_indices = #map}, {transform_indices = #map1}, {transform_indices = #map1}, {transform_indices = #map}]} {
    %mul3A = arith.constant 2 : i32
    %mul3A_0 = arith.muli %arg1, %mul3A : i32
    %add3A = arith.addi %mul3A_0, %arg0 : i32
    %mul3A_1 = arith.constant 512 : i32
    %mul3A_2 = arith.muli %add3A, %mul3A_1 : i32
    %iota3A = tpu.iota {dimensions = array<i32: 0>} : vector<16xi32>
    %dma_start3A = arith.constant 0 : i32
    %dma_start3A_3 = tpu.memref_slice %arg7[%dma_start3A] : memref<512xi32, #tpu.memory_space<vmem>> -> memref<64xi32, #tpu.memory_space<vmem>>
    %dma_start3A_4 = tpu.memref_slice %arg2[%mul3A_2] : memref<16384xi32, #tpu.memory_space<hbm>> -> memref<64xi32, #tpu.memory_space<hbm>>
    %dma_start3A_5 = arith.constant 0 : i32
    %dma_start3A_6 = tpu.memref_slice %arg7[%dma_start3A_5] : memref<512xi32, #tpu.memory_space<vmem>> -> memref<64xi32, #tpu.memory_space<vmem>>
    %dma_start3A_7 = tpu.memref_slice %arg2[%mul3A_2] : memref<16384xi32, #tpu.memory_space<hbm>> -> memref<64xi32, #tpu.memory_space<hbm>>
    tpu.enqueue_dma source(%dma_start3A_7 : memref<64xi32, #tpu.memory_space<hbm>>) target(%dma_start3A_6 : memref<64xi32, #tpu.memory_space<vmem>>) target_semaphore(%arg15 : memref<!tpu.dma_semaphore, #tpu.memory_space<semaphore_mem>>)
    %dma_start3A_8 = arith.constant 0 : i32
    %dma_start3A_9 = tpu.memref_slice %arg8[%dma_start3A_8] : memref<512xi32, #tpu.memory_space<vmem>> -> memref<64xi32, #tpu.memory_space<vmem>>
    %dma_start3A_10 = tpu.memref_slice %arg3[%mul3A_2] : memref<16384xi32, #tpu.memory_space<hbm>> -> memref<64xi32, #tpu.memory_space<hbm>>
    %dma_start3A_11 = arith.constant 0 : i32
    %dma_start3A_12 = tpu.memref_slice %arg8[%dma_start3A_11] : memref<512xi32, #tpu.memory_space<vmem>> -> memref<64xi32, #tpu.memory_space<vmem>>
    %dma_start3A_13 = tpu.memref_slice %arg3[%mul3A_2] : memref<16384xi32, #tpu.memory_space<hbm>> -> memref<64xi32, #tpu.memory_space<hbm>>
    tpu.enqueue_dma source(%dma_start3A_13 : memref<64xi32, #tpu.memory_space<hbm>>) target(%dma_start3A_12 : memref<64xi32, #tpu.memory_space<vmem>>) target_semaphore(%arg16 : memref<!tpu.dma_semaphore, #tpu.memory_space<semaphore_mem>>)
    %dma_wait3A = arith.constant 0 : i32
    %dma_wait3A_14 = tpu.memref_slice %arg7[%dma_wait3A] : memref<512xi32, #tpu.memory_space<vmem>> -> memref<64xi32, #tpu.memory_space<vmem>>
    %dma_wait3A_15 = tpu.memref_slice %arg2[%mul3A_2] : memref<16384xi32, #tpu.memory_space<hbm>> -> memref<64xi32, #tpu.memory_space<hbm>>
    %dma_wait3A_16 = arith.constant 0 : i32
    %dma_wait3A_17 = tpu.memref_slice %arg7[%dma_wait3A_16] : memref<512xi32, #tpu.memory_space<vmem>> -> memref<64xi32, #tpu.memory_space<vmem>>
    %dma_wait3A_18 = tpu.memref_slice %arg2[%mul3A_2] : memref<16384xi32, #tpu.memory_space<hbm>> -> memref<64xi32, #tpu.memory_space<hbm>>
    tpu.wait_dma2 semaphore(%arg15 : memref<!tpu.dma_semaphore, #tpu.memory_space<semaphore_mem>>) src(%dma_wait3A_18 : memref<64xi32, #tpu.memory_space<hbm>>) dst(%dma_wait3A_17 : memref<64xi32, #tpu.memory_space<vmem>>)
    %dma_wait3A_19 = arith.constant 0 : i32
    %dma_wait3A_20 = tpu.memref_slice %arg8[%dma_wait3A_19] : memref<512xi32, #tpu.memory_space<vmem>> -> memref<64xi32, #tpu.memory_space<vmem>>
    %dma_wait3A_21 = tpu.memref_slice %arg3[%mul3A_2] : memref<16384xi32, #tpu.memory_space<hbm>> -> memref<64xi32, #tpu.memory_space<hbm>>
    %dma_wait3A_22 = arith.constant 0 : i32
    %dma_wait3A_23 = tpu.memref_slice %arg8[%dma_wait3A_22] : memref<512xi32, #tpu.memory_space<vmem>> -> memref<64xi32, #tpu.memory_space<vmem>>
    %dma_wait3A_24 = tpu.memref_slice %arg3[%mul3A_2] : memref<16384xi32, #tpu.memory_space<hbm>> -> memref<64xi32, #tpu.memory_space<hbm>>
    tpu.wait_dma2 semaphore(%arg16 : memref<!tpu.dma_semaphore, #tpu.memory_space<semaphore_mem>>) src(%dma_wait3A_24 : memref<64xi32, #tpu.memory_space<hbm>>) dst(%dma_wait3A_23 : memref<64xi32, #tpu.memory_space<vmem>>)
    %dma_start3A_25 = arith.constant 0 : i32
    %dma_start3A_26 = tpu.memref_slice %arg7[%dma_start3A_25] : memref<512xi32, #tpu.memory_space<vmem>> -> memref<64xi32, #tpu.memory_space<vmem>>
    %dma_start3A_27 = arith.constant 0 : i32
    %dma_start3A_28 = arith.constant 0 : i32
    %dma_start3A_29 = tpu.memref_slice %arg4[%dma_start3A_27, %dma_start3A_28] : memref<100000x128xf32, #tpu.memory_space<hbm>> -> memref<100000x128xf32, #tpu.memory_space<hbm>>
    tpu.enqueue_indirect_dma source(%dma_start3A_29 : memref<100000x128xf32, #tpu.memory_space<hbm>>) target(%arg9 : memref<64x128xf32, #tpu.memory_space<vmem>>) offsets(%dma_start3A_26 : memref<64xi32, #tpu.memory_space<vmem>>) semaphore(%arg15 : memref<!tpu.dma_semaphore, #tpu.memory_space<semaphore_mem>>)
    %dma_start3A_30 = arith.constant 0 : i32
    %dma_start3A_31 = tpu.memref_slice %arg8[%dma_start3A_30] : memref<512xi32, #tpu.memory_space<vmem>> -> memref<64xi32, #tpu.memory_space<vmem>>
    %dma_start3A_32 = arith.constant 0 : i32
    %dma_start3A_33 = arith.constant 0 : i32
    %dma_start3A_34 = tpu.memref_slice %arg5[%dma_start3A_32, %dma_start3A_33] : memref<100000x128xf32, #tpu.memory_space<hbm>> -> memref<100000x128xf32, #tpu.memory_space<hbm>>
    tpu.enqueue_indirect_dma source(%dma_start3A_34 : memref<100000x128xf32, #tpu.memory_space<hbm>>) target(%arg11 : memref<64x128xf32, #tpu.memory_space<vmem>>) offsets(%dma_start3A_31 : memref<64xi32, #tpu.memory_space<vmem>>) semaphore(%arg16 : memref<!tpu.dma_semaphore, #tpu.memory_space<semaphore_mem>>)
    %add3A_35 = arith.constant 64 : i32
    %add3A_36 = arith.addi %mul3A_2, %add3A_35 : i32
    "tpu.region"() ({
      %run_scoped3A = tpu.sem_alloc : memref<!tpu.dma_semaphore, #tpu.memory_space<semaphore_mem>>
      %dma_start3A_43 = arith.constant 64 : i32
      %dma_start3A_44 = tpu.memref_slice %arg7[%dma_start3A_43] : memref<512xi32, #tpu.memory_space<vmem>> -> memref<448xi32, #tpu.memory_space<vmem>>
      %dma_start3A_45 = tpu.memref_slice %arg2[%add3A_36] : memref<16384xi32, #tpu.memory_space<hbm>> -> memref<448xi32, #tpu.memory_space<hbm>>
      %dma_start3A_46 = arith.constant 64 : i32
      %dma_start3A_47 = tpu.memref_slice %arg7[%dma_start3A_46] : memref<512xi32, #tpu.memory_space<vmem>> -> memref<448xi32, #tpu.memory_space<vmem>>
      %dma_start3A_48 = tpu.memref_slice %arg2[%add3A_36] : memref<16384xi32, #tpu.memory_space<hbm>> -> memref<448xi32, #tpu.memory_space<hbm>>
      tpu.enqueue_dma source(%dma_start3A_48 : memref<448xi32, #tpu.memory_space<hbm>>) target(%dma_start3A_47 : memref<448xi32, #tpu.memory_space<vmem>>) target_semaphore(%run_scoped3A : memref<!tpu.dma_semaphore, #tpu.memory_space<semaphore_mem>>)
      %dma_wait3A_49 = arith.constant 64 : i32
      %dma_wait3A_50 = tpu.memref_slice %arg7[%dma_wait3A_49] : memref<512xi32, #tpu.memory_space<vmem>> -> memref<448xi32, #tpu.memory_space<vmem>>
      %dma_wait3A_51 = tpu.memref_slice %arg2[%add3A_36] : memref<16384xi32, #tpu.memory_space<hbm>> -> memref<448xi32, #tpu.memory_space<hbm>>
      %dma_wait3A_52 = arith.constant 64 : i32
      %dma_wait3A_53 = tpu.memref_slice %arg7[%dma_wait3A_52] : memref<512xi32, #tpu.memory_space<vmem>> -> memref<448xi32, #tpu.memory_space<vmem>>
      %dma_wait3A_54 = tpu.memref_slice %arg2[%add3A_36] : memref<16384xi32, #tpu.memory_space<hbm>> -> memref<448xi32, #tpu.memory_space<hbm>>
      tpu.wait_dma2 semaphore(%run_scoped3A : memref<!tpu.dma_semaphore, #tpu.memory_space<semaphore_mem>>) src(%dma_wait3A_54 : memref<448xi32, #tpu.memory_space<hbm>>) dst(%dma_wait3A_53 : memref<448xi32, #tpu.memory_space<vmem>>)
      tpu.yield
    }) : () -> ()
    %add3A_37 = arith.constant 64 : i32
    %add3A_38 = arith.addi %mul3A_2, %add3A_37 : i32
    "tpu.region"() ({
      %run_scoped3A = tpu.sem_alloc : memref<!tpu.dma_semaphore, #tpu.memory_space<semaphore_mem>>
      %dma_start3A_43 = arith.constant 64 : i32
      %dma_start3A_44 = tpu.memref_slice %arg8[%dma_start3A_43] : memref<512xi32, #tpu.memory_space<vmem>> -> memref<448xi32, #tpu.memory_space<vmem>>
      %dma_start3A_45 = tpu.memref_slice %arg3[%add3A_38] : memref<16384xi32, #tpu.memory_space<hbm>> -> memref<448xi32, #tpu.memory_space<hbm>>
      %dma_start3A_46 = arith.constant 64 : i32
      %dma_start3A_47 = tpu.memref_slice %arg8[%dma_start3A_46] : memref<512xi32, #tpu.memory_space<vmem>> -> memref<448xi32, #tpu.memory_space<vmem>>
      %dma_start3A_48 = tpu.memref_slice %arg3[%add3A_38] : memref<16384xi32, #tpu.memory_space<hbm>> -> memref<448xi32, #tpu.memory_space<hbm>>
      tpu.enqueue_dma source(%dma_start3A_48 : memref<448xi32, #tpu.memory_space<hbm>>) target(%dma_start3A_47 : memref<448xi32, #tpu.memory_space<vmem>>) target_semaphore(%run_scoped3A : memref<!tpu.dma_semaphore, #tpu.memory_space<semaphore_mem>>)
      %dma_wait3A_49 = arith.constant 64 : i32
      %dma_wait3A_50 = tpu.memref_slice %arg8[%dma_wait3A_49] : memref<512xi32, #tpu.memory_space<vmem>> -> memref<448xi32, #tpu.memory_space<vmem>>
      %dma_wait3A_51 = tpu.memref_slice %arg3[%add3A_38] : memref<16384xi32, #tpu.memory_space<hbm>> -> memref<448xi32, #tpu.memory_space<hbm>>
      %dma_wait3A_52 = arith.constant 64 : i32
      %dma_wait3A_53 = tpu.memref_slice %arg8[%dma_wait3A_52] : memref<512xi32, #tpu.memory_space<vmem>> -> memref<448xi32, #tpu.memory_space<vmem>>
      %dma_wait3A_54 = tpu.memref_slice %arg3[%add3A_38] : memref<16384xi32, #tpu.memory_space<hbm>> -> memref<448xi32, #tpu.memory_space<hbm>>
      tpu.wait_dma2 semaphore(%run_scoped3A : memref<!tpu.dma_semaphore, #tpu.memory_space<semaphore_mem>>) src(%dma_wait3A_54 : memref<448xi32, #tpu.memory_space<hbm>>) dst(%dma_wait3A_53 : memref<448xi32, #tpu.memory_space<vmem>>)
      tpu.yield
    }) : () -> ()
    %scan3A = arith.constant 0 : i32
    %scan3A_39 = arith.constant 4 : i32
    %scan3A_40 = arith.addi %scan3A, %scan3A_39 : i32
    %scan3A_41 = arith.constant 1 : i32
    scf.for %scan3A_43 = %scan3A to %scan3A_40 step %scan3A_41  : i32 {
      %mul3A_44 = arith.constant 128 : i32
      %mul3A_45 = arith.muli %scan3A_43, %mul3A_44 : i32
      %add3A_46 = arith.constant 0 : i32
      %add3A_47 = arith.addi %add3A_46, %mul3A_45 : i32
      %add3A_48 = arith.constant 64 : i32
      %add3A_49 = arith.addi %add3A_47, %add3A_48 : i32
      %dma_start3A_50 = tpu.memref_slice %arg7[%add3A_49] : memref<512xi32, #tpu.memory_space<vmem>> -> memref<64xi32, #tpu.memory_space<vmem>>
      %dma_start3A_51 = arith.constant 0 : i32
      %dma_start3A_52 = arith.constant 0 : i32
      %dma_start3A_53 = tpu.memref_slice %arg4[%dma_start3A_51, %dma_start3A_52] : memref<100000x128xf32, #tpu.memory_space<hbm>> -> memref<100000x128xf32, #tpu.memory_space<hbm>>
      tpu.enqueue_indirect_dma source(%dma_start3A_53 : memref<100000x128xf32, #tpu.memory_space<hbm>>) target(%arg10 : memref<64x128xf32, #tpu.memory_space<vmem>>) offsets(%dma_start3A_50 : memref<64xi32, #tpu.memory_space<vmem>>) semaphore(%arg17 : memref<!tpu.dma_semaphore, #tpu.memory_space<semaphore_mem>>)
      %dma_start3A_54 = tpu.memref_slice %arg8[%add3A_49] : memref<512xi32, #tpu.memory_space<vmem>> -> memref<64xi32, #tpu.memory_space<vmem>>
      %dma_start3A_55 = arith.constant 0 : i32
      %dma_start3A_56 = arith.constant 0 : i32
      %dma_start3A_57 = tpu.memref_slice %arg5[%dma_start3A_55, %dma_start3A_56] : memref<100000x128xf32, #tpu.memory_space<hbm>> -> memref<100000x128xf32, #tpu.memory_space<hbm>>
      tpu.enqueue_indirect_dma source(%dma_start3A_57 : memref<100000x128xf32, #tpu.memory_space<hbm>>) target(%arg12 : memref<64x128xf32, #tpu.memory_space<vmem>>) offsets(%dma_start3A_54 : memref<64xi32, #tpu.memory_space<vmem>>) semaphore(%arg18 : memref<!tpu.dma_semaphore, #tpu.memory_space<semaphore_mem>>)
      %dma_wait3A_58 = arith.constant 0 : i32
      %dma_wait3A_59 = tpu.memref_slice %arg7[%dma_wait3A_58] : memref<512xi32, #tpu.memory_space<vmem>> -> memref<64xi32, #tpu.memory_space<vmem>>
      %dma_wait3A_60 = arith.constant 0 : i32
      %dma_wait3A_61 = arith.constant 0 : i32
      %dma_wait3A_62 = tpu.memref_slice %arg4[%dma_wait3A_60, %dma_wait3A_61] : memref<100000x128xf32, #tpu.memory_space<hbm>> -> memref<100000x128xf32, #tpu.memory_space<hbm>>
      tpu.wait_indirect_dma semaphore(%arg15 : memref<!tpu.dma_semaphore, #tpu.memory_space<semaphore_mem>>) src(%dma_wait3A_62 : memref<100000x128xf32, #tpu.memory_space<hbm>>) dst(%arg9 : memref<64x128xf32, #tpu.memory_space<vmem>>)
      %dma_wait3A_63 = arith.constant 0 : i32
      %dma_wait3A_64 = tpu.memref_slice %arg8[%dma_wait3A_63] : memref<512xi32, #tpu.memory_space<vmem>> -> memref<64xi32, #tpu.memory_space<vmem>>
      %dma_wait3A_65 = arith.constant 0 : i32
      %dma_wait3A_66 = arith.constant 0 : i32
      %dma_wait3A_67 = tpu.memref_slice %arg5[%dma_wait3A_65, %dma_wait3A_66] : memref<100000x128xf32, #tpu.memory_space<hbm>> -> memref<100000x128xf32, #tpu.memory_space<hbm>>
      tpu.wait_indirect_dma semaphore(%arg16 : memref<!tpu.dma_semaphore, #tpu.memory_space<semaphore_mem>>) src(%dma_wait3A_67 : memref<100000x128xf32, #tpu.memory_space<hbm>>) dst(%arg11 : memref<64x128xf32, #tpu.memory_space<vmem>>)
      %scan3A_68 = arith.constant 0 : i32
      %scan3A_69 = arith.constant 4 : i32
      %scan3A_70 = arith.addi %scan3A_68, %scan3A_69 : i32
      %scan3A_71 = arith.constant 1 : i32
      scf.for %scan3A_94 = %scan3A_68 to %scan3A_70 step %scan3A_71  : i32 {
        %mul3A_95 = arith.constant 16 : i32
        %mul3A_96 = arith.muli %scan3A_94, %mul3A_95 : i32
        %add3A_97 = arith.constant 0 : i32
        %add3A_98 = arith.addi %add3A_97, %mul3A_96 : i32
        %scan3A_99 = arith.constant 0 : i32
        %scan3A_100 = arith.constant 2 : i32
        %scan3A_101 = arith.addi %scan3A_99, %scan3A_100 : i32
        %scan3A_102 = arith.constant 1 : i32
        scf.for %scan3A_174 = %scan3A_99 to %scan3A_101 step %scan3A_102  : i32 {
          %mul3A_175 = arith.constant 8 : i32
          %mul3A_176 = arith.muli %scan3A_174, %mul3A_175 : i32
          %add3A_177 = arith.constant 0 : i32
          %add3A_178 = arith.addi %add3A_177, %mul3A_176 : i32
          %add3A_179 = arith.addi %add3A_98, %add3A_178 : i32
          %add3A_180 = arith.constant 0 : i32
          %add3A_181 = arith.addi %add3A_179, %add3A_180 : i32
          %get3A = arith.index_cast %add3A_181 : i32 to index
          %get3A_182 = arith.constant 0 : index
          %get3A_183 = tpu.vector_load %arg9[%get3A, %get3A_182] {strides = array<i32>} : memref<64x128xf32, #tpu.memory_space<vmem>>, vector<16xf32>,
          %get3A_184 = arith.index_cast %add3A_181 : i32 to index
          %get3A_185 = arith.constant 0 : index
          %get3A_186 = tpu.vector_load %arg11[%get3A_184, %get3A_185] {strides = array<i32>} : memref<64x128xf32, #tpu.memory_space<vmem>>, vector<16xf32>,
          %mul3A_187 = arith.mulf %get3A_183, %get3A_186 : vector<16xf32>
          %get3A_188 = arith.index_cast %add3A_181 : i32 to index
          %get3A_189 = arith.constant 16 : index
          %get3A_190 = tpu.vector_load %arg9[%get3A_188, %get3A_189] {strides = array<i32>} : memref<64x128xf32, #tpu.memory_space<vmem>>, vector<16xf32>,
          %get3A_191 = arith.index_cast %add3A_181 : i32 to index
          %get3A_192 = arith.constant 16 : index
          %get3A_193 = tpu.vector_load %arg11[%get3A_191, %get3A_192] {strides = array<i32>} : memref<64x128xf32, #tpu.memory_space<vmem>>, vector<16xf32>,
          %mul3A_194 = arith.mulf %get3A_190, %get3A_193 : vector<16xf32>
          %get3A_195 = arith.index_cast %add3A_181 : i32 to index
          %get3A_196 = arith.constant 32 : index
          %get3A_197 = tpu.vector_load %arg9[%get3A_195, %get3A_196] {strides = array<i32>} : memref<64x128xf32, #tpu.memory_space<vmem>>, vector<16xf32>,
          %get3A_198 = arith.index_cast %add3A_181 : i32 to index
          %get3A_199 = arith.constant 32 : index
          %get3A_200 = tpu.vector_load %arg11[%get3A_198, %get3A_199] {strides = array<i32>} : memref<64x128xf32, #tpu.memory_space<vmem>>, vector<16xf32>,
          %mul3A_201 = arith.mulf %get3A_197, %get3A_200 : vector<16xf32>
          %get3A_202 = arith.index_cast %add3A_181 : i32 to index
          %get3A_203 = arith.constant 48 : index
          %get3A_204 = tpu.vector_load %arg9[%get3A_202, %get3A_203] {strides = array<i32>} : memref<64x128xf32, #tpu.memory_space<vmem>>, vector<16xf32>,
          %get3A_205 = arith.index_cast %add3A_181 : i32 to index
          %get3A_206 = arith.constant 48 : index
          %get3A_207 = tpu.vector_load %arg11[%get3A_205, %get3A_206] {strides = array<i32>} : memref<64x128xf32, #tpu.memory_space<vmem>>, vector<16xf32>,
          %mul3A_208 = arith.mulf %get3A_204, %get3A_207 : vector<16xf32>
          %get3A_209 = arith.index_cast %add3A_181 : i32 to index
          %get3A_210 = arith.constant 64 : index
          %get3A_211 = tpu.vector_load %arg9[%get3A_209, %get3A_210] {strides = array<i32>} : memref<64x128xf32, #tpu.memory_space<vmem>>, vector<16xf32>,
          %get3A_212 = arith.index_cast %add3A_181 : i32 to index
          %get3A_213 = arith.constant 64 : index
          %get3A_214 = tpu.vector_load %arg11[%get3A_212, %get3A_213] {strides = array<i32>} : memref<64x128xf32, #tpu.memory_space<vmem>>, vector<16xf32>,
          %mul3A_215 = arith.mulf %get3A_211, %get3A_214 : vector<16xf32>
          %get3A_216 = arith.index_cast %add3A_181 : i32 to index
          %get3A_217 = arith.constant 80 : index
          %get3A_218 = tpu.vector_load %arg9[%get3A_216, %get3A_217] {strides = array<i32>} : memref<64x128xf32, #tpu.memory_space<vmem>>, vector<16xf32>,
          %get3A_219 = arith.index_cast %add3A_181 : i32 to index
          %get3A_220 = arith.constant 80 : index
          %get3A_221 = tpu.vector_load %arg11[%get3A_219, %get3A_220] {strides = array<i32>} : memref<64x128xf32, #tpu.memory_space<vmem>>, vector<16xf32>,
          %mul3A_222 = arith.mulf %get3A_218, %get3A_221 : vector<16xf32>
          %get3A_223 = arith.index_cast %add3A_181 : i32 to index
          %get3A_224 = arith.constant 96 : index
          %get3A_225 = tpu.vector_load %arg9[%get3A_223, %get3A_224] {strides = array<i32>} : memref<64x128xf32, #tpu.memory_space<vmem>>, vector<16xf32>,
          %get3A_226 = arith.index_cast %add3A_181 : i32 to index
          %get3A_227 = arith.constant 96 : index
          %get3A_228 = tpu.vector_load %arg11[%get3A_226, %get3A_227] {strides = array<i32>} : memref<64x128xf32, #tpu.memory_space<vmem>>, vector<16xf32>,
          %mul3A_229 = arith.mulf %get3A_225, %get3A_228 : vector<16xf32>
          %get3A_230 = arith.index_cast %add3A_181 : i32 to index
          %get3A_231 = arith.constant 112 : index
          %get3A_232 = tpu.vector_load %arg9[%get3A_230, %get3A_231] {strides = array<i32>} : memref<64x128xf32, #tpu.memory_space<vmem>>, vector<16xf32>,
          %get3A_233 = arith.index_cast %add3A_181 : i32 to index
          %get3A_234 = arith.constant 112 : index
          %get3A_235 = tpu.vector_load %arg11[%get3A_233, %get3A_234] {strides = array<i32>} : memref<64x128xf32, #tpu.memory_space<vmem>>, vector<16xf32>,
          %mul3A_236 = arith.mulf %get3A_232, %get3A_235 : vector<16xf32>
          %add3A_237 = arith.addf %mul3A_187, %mul3A_194 : vector<16xf32>
          %add3A_238 = arith.addf %mul3A_201, %mul3A_208 : vector<16xf32>
          %add3A_239 = arith.addf %mul3A_215, %mul3A_222 : vector<16xf32>
          %add3A_240 = arith.addf %mul3A_229, %mul3A_236 : vector<16xf32>
          %add3A_241 = arith.addf %add3A_237, %add3A_238 : vector<16xf32>
          %add3A_242 = arith.addf %add3A_239, %add3A_240 : vector<16xf32>
          %add3A_243 = arith.addf %add3A_241, %add3A_242 : vector<16xf32>
          %add3A_244 = arith.constant 0 : i32
          %add3A_245 = arith.addi %add3A_178, %add3A_244 : i32
          %swap3A_246 = arith.index_cast %add3A_245 : i32 to index
          %swap3A_247 = arith.constant 0 : index
          %swap3A_248 = tpu.vector_load %arg13[%swap3A_246, %swap3A_247] {strides = array<i32>} : memref<16x16xf32, #tpu.memory_space<vmem>>, vector<16xf32>,
          tpu.vector_store %arg13[%swap3A_246, %swap3A_247], %add3A_243 {strides = array<i32>} : memref<16x16xf32, #tpu.memory_space<vmem>>, vector<16xf32>,
          %add3A_249 = arith.addi %add3A_98, %add3A_178 : i32
          %add3A_250 = arith.constant 1 : i32
          %add3A_251 = arith.addi %add3A_249, %add3A_250 : i32
          %get3A_252 = arith.index_cast %add3A_251 : i32 to index
          %get3A_253 = arith.constant 0 : index
          %get3A_254 = tpu.vector_load %arg9[%get3A_252, %get3A_253] {strides = array<i32>} : memref<64x128xf32, #tpu.memory_space<vmem>>, vector<16xf32>,
          %get3A_255 = arith.index_cast %add3A_251 : i32 to index
          %get3A_256 = arith.constant 0 : index
          %get3A_257 = tpu.vector_load %arg11[%get3A_255, %get3A_256] {strides = array<i32>} : memref<64x128xf32, #tpu.memory_space<vmem>>, vector<16xf32>,
          %mul3A_258 = arith.mulf %get3A_254, %get3A_257 : vector<16xf32>
          %get3A_259 = arith.index_cast %add3A_251 : i32 to index
          %get3A_260 = arith.constant 16 : index
          %get3A_261 = tpu.vector_load %arg9[%get3A_259, %get3A_260] {strides = array<i32>} : memref<64x128xf32, #tpu.memory_space<vmem>>, vector<16xf32>,
          %get3A_262 = arith.index_cast %add3A_251 : i32 to index
          %get3A_263 = arith.constant 16 : index
          %get3A_264 = tpu.vector_load %arg11[%get3A_262, %get3A_263] {strides = array<i32>} : memref<64x128xf32, #tpu.memory_space<vmem>>, vector<16xf32>,
          %mul3A_265 = arith.mulf %get3A_261, %get3A_264 : vector<16xf32>
          %get3A_266 = arith.index_cast %add3A_251 : i32 to index
          %get3A_267 = arith.constant 32 : index
          %get3A_268 = tpu.vector_load %arg9[%get3A_266, %get3A_267] {strides = array<i32>} : memref<64x128xf32, #tpu.memory_space<vmem>>, vector<16xf32>,
          %get3A_269 = arith.index_cast %add3A_251 : i32 to index
          %get3A_270 = arith.constant 32 : index
          %get3A_271 = tpu.vector_load %arg11[%get3A_269, %get3A_270] {strides = array<i32>} : memref<64x128xf32, #tpu.memory_space<vmem>>, vector<16xf32>,
          %mul3A_272 = arith.mulf %get3A_268, %get3A_271 : vector<16xf32>
          %get3A_273 = arith.index_cast %add3A_251 : i32 to index
          %get3A_274 = arith.constant 48 : index
          %get3A_275 = tpu.vector_load %arg9[%get3A_273, %get3A_274] {strides = array<i32>} : memref<64x128xf32, #tpu.memory_space<vmem>>, vector<16xf32>,
          %get3A_276 = arith.index_cast %add3A_251 : i32 to index
          %get3A_277 = arith.constant 48 : index
          %get3A_278 = tpu.vector_load %arg11[%get3A_276, %get3A_277] {strides = array<i32>} : memref<64x128xf32, #tpu.memory_space<vmem>>, vector<16xf32>,
          %mul3A_279 = arith.mulf %get3A_275, %get3A_278 : vector<16xf32>
          %get3A_280 = arith.index_cast %add3A_251 : i32 to index
          %get3A_281 = arith.constant 64 : index
          %get3A_282 = tpu.vector_load %arg9[%get3A_280, %get3A_281] {strides = array<i32>} : memref<64x128xf32, #tpu.memory_space<vmem>>, vector<16xf32>,
          %get3A_283 = arith.index_cast %add3A_251 : i32 to index
          %get3A_284 = arith.constant 64 : index
          %get3A_285 = tpu.vector_load %arg11[%get3A_283, %get3A_284] {strides = array<i32>} : memref<64x128xf32, #tpu.memory_space<vmem>>, vector<16xf32>,
          %mul3A_286 = arith.mulf %get3A_282, %get3A_285 : vector<16xf32>
          %get3A_287 = arith.index_cast %add3A_251 : i32 to index
          %get3A_288 = arith.constant 80 : index
          %get3A_289 = tpu.vector_load %arg9[%get3A_287, %get3A_288] {strides = array<i32>} : memref<64x128xf32, #tpu.memory_space<vmem>>, vector<16xf32>,
          %get3A_290 = arith.index_cast %add3A_251 : i32 to index
          %get3A_291 = arith.constant 80 : index
          %get3A_292 = tpu.vector_load %arg11[%get3A_290, %get3A_291] {strides = array<i32>} : memref<64x128xf32, #tpu.memory_space<vmem>>, vector<16xf32>,
          %mul3A_293 = arith.mulf %get3A_289, %get3A_292 : vector<16xf32>
          %get3A_294 = arith.index_cast %add3A_251 : i32 to index
          %get3A_295 = arith.constant 96 : index
          %get3A_296 = tpu.vector_load %arg9[%get3A_294, %get3A_295] {strides = array<i32>} : memref<64x128xf32, #tpu.memory_space<vmem>>, vector<16xf32>,
          %get3A_297 = arith.index_cast %add3A_251 : i32 to index
          %get3A_298 = arith.constant 96 : index
          %get3A_299 = tpu.vector_load %arg11[%get3A_297, %get3A_298] {strides = array<i32>} : memref<64x128xf32, #tpu.memory_space<vmem>>, vector<16xf32>,
          %mul3A_300 = arith.mulf %get3A_296, %get3A_299 : vector<16xf32>
          %get3A_301 = arith.index_cast %add3A_251 : i32 to index
          %get3A_302 = arith.constant 112 : index
          %get3A_303 = tpu.vector_load %arg9[%get3A_301, %get3A_302] {strides = array<i32>} : memref<64x128xf32, #tpu.memory_space<vmem>>, vector<16xf32>,
          %get3A_304 = arith.index_cast %add3A_251 : i32 to index
          %get3A_305 = arith.constant 112 : index
          %get3A_306 = tpu.vector_load %arg11[%get3A_304, %get3A_305] {strides = array<i32>} : memref<64x128xf32, #tpu.memory_space<vmem>>, vector<16xf32>,
          %mul3A_307 = arith.mulf %get3A_303, %get3A_306 : vector<16xf32>
          %add3A_308 = arith.addf %mul3A_258, %mul3A_265 : vector<16xf32>
          %add3A_309 = arith.addf %mul3A_272, %mul3A_279 : vector<16xf32>
          %add3A_310 = arith.addf %mul3A_286, %mul3A_293 : vector<16xf32>
          %add3A_311 = arith.addf %mul3A_300, %mul3A_307 : vector<16xf32>
          %add3A_312 = arith.addf %add3A_308, %add3A_309 : vector<16xf32>
          %add3A_313 = arith.addf %add3A_310, %add3A_311 : vector<16xf32>
          %add3A_314 = arith.addf %add3A_312, %add3A_313 : vector<16xf32>
          %add3A_315 = arith.constant 1 : i32
          %add3A_316 = arith.addi %add3A_178, %add3A_315 : i32
          %swap3A_317 = arith.index_cast %add3A_316 : i32 to index
          %swap3A_318 = arith.constant 0 : index
          %swap3A_319 = tpu.vector_load %arg13[%swap3A_317, %swap3A_318] {strides = array<i32>} : memref<16x16xf32, #tpu.memory_space<vmem>>, vector<16xf32>,
          tpu.vector_store %arg13[%swap3A_317, %swap3A_318], %add3A_314 {strides = array<i32>} : memref<16x16xf32, #tpu.memory_space<vmem>>, vector<16xf32>,
          %add3A_320 = arith.addi %add3A_98, %add3A_178 : i32
          %add3A_321 = arith.constant 2 : i32
          %add3A_322 = arith.addi %add3A_320, %add3A_321 : i32
          %get3A_323 = arith.index_cast %add3A_322 : i32 to index
          %get3A_324 = arith.constant 0 : index
          %get3A_325 = tpu.vector_load %arg9[%get3A_323, %get3A_324] {strides = array<i32>} : memref<64x128xf32, #tpu.memory_space<vmem>>, vector<16xf32>,
          %get3A_326 = arith.index_cast %add3A_322 : i32 to index
          %get3A_327 = arith.constant 0 : index
          %get3A_328 = tpu.vector_load %arg11[%get3A_326, %get3A_327] {strides = array<i32>} : memref<64x128xf32, #tpu.memory_space<vmem>>, vector<16xf32>,
          %mul3A_329 = arith.mulf %get3A_325, %get3A_328 : vector<16xf32>
          %get3A_330 = arith.index_cast %add3A_322 : i32 to index
          %get3A_331 = arith.constant 16 : index
          %get3A_332 = tpu.vector_load %arg9[%get3A_330, %get3A_331] {strides = array<i32>} : memref<64x128xf32, #tpu.memory_space<vmem>>, vector<16xf32>,
          %get3A_333 = arith.index_cast %add3A_322 : i32 to index
          %get3A_334 = arith.constant 16 : index
          %get3A_335 = tpu.vector_load %arg11[%get3A_333, %get3A_334] {strides = array<i32>} : memref<64x128xf32, #tpu.memory_space<vmem>>, vector<16xf32>,
          %mul3A_336 = arith.mulf %get3A_332, %get3A_335 : vector<16xf32>
          %get3A_337 = arith.index_cast %add3A_322 : i32 to index
          %get3A_338 = arith.constant 32 : index
          %get3A_339 = tpu.vector_load %arg9[%get3A_337, %get3A_338] {strides = array<i32>} : memref<64x128xf32, #tpu.memory_space<vmem>>, vector<16xf32>,
          %get3A_340 = arith.index_cast %add3A_322 : i32 to index
          %get3A_341 = arith.constant 32 : index
          %get3A_342 = tpu.vector_load %arg11[%get3A_340, %get3A_341] {strides = array<i32>} : memref<64x128xf32, #tpu.memory_space<vmem>>, vector<16xf32>,
          %mul3A_343 = arith.mulf %get3A_339, %get3A_342 : vector<16xf32>
          %get3A_344 = arith.index_cast %add3A_322 : i32 to index
          %get3A_345 = arith.constant 48 : index
          %get3A_346 = tpu.vector_load %arg9[%get3A_344, %get3A_345] {strides = array<i32>} : memref<64x128xf32, #tpu.memory_space<vmem>>, vector<16xf32>,
          %get3A_347 = arith.index_cast %add3A_322 : i32 to index
          %get3A_348 = arith.constant 48 : index
          %get3A_349 = tpu.vector_load %arg11[%get3A_347, %get3A_348] {strides = array<i32>} : memref<64x128xf32, #tpu.memory_space<vmem>>, vector<16xf32>,
          %mul3A_350 = arith.mulf %get3A_346, %get3A_349 : vector<16xf32>
          %get3A_351 = arith.index_cast %add3A_322 : i32 to index
          %get3A_352 = arith.constant 64 : index
          %get3A_353 = tpu.vector_load %arg9[%get3A_351, %get3A_352] {strides = array<i32>} : memref<64x128xf32, #tpu.memory_space<vmem>>, vector<16xf32>,
          %get3A_354 = arith.index_cast %add3A_322 : i32 to index
          %get3A_355 = arith.constant 64 : index
          %get3A_356 = tpu.vector_load %arg11[%get3A_354, %get3A_355] {strides = array<i32>} : memref<64x128xf32, #tpu.memory_space<vmem>>, vector<16xf32>,
          %mul3A_357 = arith.mulf %get3A_353, %get3A_356 : vector<16xf32>
          %get3A_358 = arith.index_cast %add3A_322 : i32 to index
          %get3A_359 = arith.constant 80 : index
          %get3A_360 = tpu.vector_load %arg9[%get3A_358, %get3A_359] {strides = array<i32>} : memref<64x128xf32, #tpu.memory_space<vmem>>, vector<16xf32>,
          %get3A_361 = arith.index_cast %add3A_322 : i32 to index
          %get3A_362 = arith.constant 80 : index
          %get3A_363 = tpu.vector_load %arg11[%get3A_361, %get3A_362] {strides = array<i32>} : memref<64x128xf32, #tpu.memory_space<vmem>>, vector<16xf32>,
          %mul3A_364 = arith.mulf %get3A_360, %get3A_363 : vector<16xf32>
          %get3A_365 = arith.index_cast %add3A_322 : i32 to index
          %get3A_366 = arith.constant 96 : index
          %get3A_367 = tpu.vector_load %arg9[%get3A_365, %get3A_366] {strides = array<i32>} : memref<64x128xf32, #tpu.memory_space<vmem>>, vector<16xf32>,
          %get3A_368 = arith.index_cast %add3A_322 : i32 to index
          %get3A_369 = arith.constant 96 : index
          %get3A_370 = tpu.vector_load %arg11[%get3A_368, %get3A_369] {strides = array<i32>} : memref<64x128xf32, #tpu.memory_space<vmem>>, vector<16xf32>,
          %mul3A_371 = arith.mulf %get3A_367, %get3A_370 : vector<16xf32>
          %get3A_372 = arith.index_cast %add3A_322 : i32 to index
          %get3A_373 = arith.constant 112 : index
          %get3A_374 = tpu.vector_load %arg9[%get3A_372, %get3A_373] {strides = array<i32>} : memref<64x128xf32, #tpu.memory_space<vmem>>, vector<16xf32>,
          %get3A_375 = arith.index_cast %add3A_322 : i32 to index
          %get3A_376 = arith.constant 112 : index
          %get3A_377 = tpu.vector_load %arg11[%get3A_375, %get3A_376] {strides = array<i32>} : memref<64x128xf32, #tpu.memory_space<vmem>>, vector<16xf32>,
          %mul3A_378 = arith.mulf %get3A_374, %get3A_377 : vector<16xf32>
          %add3A_379 = arith.addf %mul3A_329, %mul3A_336 : vector<16xf32>
          %add3A_380 = arith.addf %mul3A_343, %mul3A_350 : vector<16xf32>
          %add3A_381 = arith.addf %mul3A_357, %mul3A_364 : vector<16xf32>
          %add3A_382 = arith.addf %mul3A_371, %mul3A_378 : vector<16xf32>
          %add3A_383 = arith.addf %add3A_379, %add3A_380 : vector<16xf32>
          %add3A_384 = arith.addf %add3A_381, %add3A_382 : vector<16xf32>
          %add3A_385 = arith.addf %add3A_383, %add3A_384 : vector<16xf32>
          %add3A_386 = arith.constant 2 : i32
          %add3A_387 = arith.addi %add3A_178, %add3A_386 : i32
          %swap3A_388 = arith.index_cast %add3A_387 : i32 to index
          %swap3A_389 = arith.constant 0 : index
          %swap3A_390 = tpu.vector_load %arg13[%swap3A_388, %swap3A_389] {strides = array<i32>} : memref<16x16xf32, #tpu.memory_space<vmem>>, vector<16xf32>,
          tpu.vector_store %arg13[%swap3A_388, %swap3A_389], %add3A_385 {strides = array<i32>} : memref<16x16xf32, #tpu.memory_space<vmem>>, vector<16xf32>,
          %add3A_391 = arith.addi %add3A_98, %add3A_178 : i32
          %add3A_392 = arith.constant 3 : i32
          %add3A_393 = arith.addi %add3A_391, %add3A_392 : i32
          %get3A_394 = arith.index_cast %add3A_393 : i32 to index
          %get3A_395 = arith.constant 0 : index
          %get3A_396 = tpu.vector_load %arg9[%get3A_394, %get3A_395] {strides = array<i32>} : memref<64x128xf32, #tpu.memory_space<vmem>>, vector<16xf32>,
          %get3A_397 = arith.index_cast %add3A_393 : i32 to index
          %get3A_398 = arith.constant 0 : index
          %get3A_399 = tpu.vector_load %arg11[%get3A_397, %get3A_398] {strides = array<i32>} : memref<64x128xf32, #tpu.memory_space<vmem>>, vector<16xf32>,
          %mul3A_400 = arith.mulf %get3A_396, %get3A_399 : vector<16xf32>
          %get3A_401 = arith.index_cast %add3A_393 : i32 to index
          %get3A_402 = arith.constant 16 : index
          %get3A_403 = tpu.vector_load %arg9[%get3A_401, %get3A_402] {strides = array<i32>} : memref<64x128xf32, #tpu.memory_space<vmem>>, vector<16xf32>,
          %get3A_404 = arith.index_cast %add3A_393 : i32 to index
          %get3A_405 = arith.constant 16 : index
          %get3A_406 = tpu.vector_load %arg11[%get3A_404, %get3A_405] {strides = array<i32>} : memref<64x128xf32, #tpu.memory_space<vmem>>, vector<16xf32>,
          %mul3A_407 = arith.mulf %get3A_403, %get3A_406 : vector<16xf32>
          %get3A_408 = arith.index_cast %add3A_393 : i32 to index
          %get3A_409 = arith.constant 32 : index
          %get3A_410 = tpu.vector_load %arg9[%get3A_408, %get3A_409] {strides = array<i32>} : memref<64x128xf32, #tpu.memory_space<vmem>>, vector<16xf32>,
          %get3A_411 = arith.index_cast %add3A_393 : i32 to index
          %get3A_412 = arith.constant 32 : index
          %get3A_413 = tpu.vector_load %arg11[%get3A_411, %get3A_412] {strides = array<i32>} : memref<64x128xf32, #tpu.memory_space<vmem>>, vector<16xf32>,
          %mul3A_414 = arith.mulf %get3A_410, %get3A_413 : vector<16xf32>
          %get3A_415 = arith.index_cast %add3A_393 : i32 to index
          %get3A_416 = arith.constant 48 : index
          %get3A_417 = tpu.vector_load %arg9[%get3A_415, %get3A_416] {strides = array<i32>} : memref<64x128xf32, #tpu.memory_space<vmem>>, vector<16xf32>,
          %get3A_418 = arith.index_cast %add3A_393 : i32 to index
          %get3A_419 = arith.constant 48 : index
          %get3A_420 = tpu.vector_load %arg11[%get3A_418, %get3A_419] {strides = array<i32>} : memref<64x128xf32, #tpu.memory_space<vmem>>, vector<16xf32>,
          %mul3A_421 = arith.mulf %get3A_417, %get3A_420 : vector<16xf32>
          %get3A_422 = arith.index_cast %add3A_393 : i32 to index
          %get3A_423 = arith.constant 64 : index
          %get3A_424 = tpu.vector_load %arg9[%get3A_422, %get3A_423] {strides = array<i32>} : memref<64x128xf32, #tpu.memory_space<vmem>>, vector<16xf32>,
          %get3A_425 = arith.index_cast %add3A_393 : i32 to index
          %get3A_426 = arith.constant 64 : index
          %get3A_427 = tpu.vector_load %arg11[%get3A_425, %get3A_426] {strides = array<i32>} : memref<64x128xf32, #tpu.memory_space<vmem>>, vector<16xf32>,
          %mul3A_428 = arith.mulf %get3A_424, %get3A_427 : vector<16xf32>
          %get3A_429 = arith.index_cast %add3A_393 : i32 to index
          %get3A_430 = arith.constant 80 : index
          %get3A_431 = tpu.vector_load %arg9[%get3A_429, %get3A_430] {strides = array<i32>} : memref<64x128xf32, #tpu.memory_space<vmem>>, vector<16xf32>,
          %get3A_432 = arith.index_cast %add3A_393 : i32 to index
          %get3A_433 = arith.constant 80 : index
          %get3A_434 = tpu.vector_load %arg11[%get3A_432, %get3A_433] {strides = array<i32>} : memref<64x128xf32, #tpu.memory_space<vmem>>, vector<16xf32>,
          %mul3A_435 = arith.mulf %get3A_431, %get3A_434 : vector<16xf32>
          %get3A_436 = arith.index_cast %add3A_393 : i32 to index
          %get3A_437 = arith.constant 96 : index
          %get3A_438 = tpu.vector_load %arg9[%get3A_436, %get3A_437] {strides = array<i32>} : memref<64x128xf32, #tpu.memory_space<vmem>>, vector<16xf32>,
          %get3A_439 = arith.index_cast %add3A_393 : i32 to index
          %get3A_440 = arith.constant 96 : index
          %get3A_441 = tpu.vector_load %arg11[%get3A_439, %get3A_440] {strides = array<i32>} : memref<64x128xf32, #tpu.memory_space<vmem>>, vector<16xf32>,
          %mul3A_442 = arith.mulf %get3A_438, %get3A_441 : vector<16xf32>
          %get3A_443 = arith.index_cast %add3A_393 : i32 to index
          %get3A_444 = arith.constant 112 : index
          %get3A_445 = tpu.vector_load %arg9[%get3A_443, %get3A_444] {strides = array<i32>} : memref<64x128xf32, #tpu.memory_space<vmem>>, vector<16xf32>,
          %get3A_446 = arith.index_cast %add3A_393 : i32 to index
          %get3A_447 = arith.constant 112 : index
          %get3A_448 = tpu.vector_load %arg11[%get3A_446, %get3A_447] {strides = array<i32>} : memref<64x128xf32, #tpu.memory_space<vmem>>, vector<16xf32>,
          %mul3A_449 = arith.mulf %get3A_445, %get3A_448 : vector<16xf32>
          %add3A_450 = arith.addf %mul3A_400, %mul3A_407 : vector<16xf32>
          %add3A_451 = arith.addf %mul3A_414, %mul3A_421 : vector<16xf32>
          %add3A_452 = arith.addf %mul3A_428, %mul3A_435 : vector<16xf32>
          %add3A_453 = arith.addf %mul3A_442, %mul3A_449 : vector<16xf32>
          %add3A_454 = arith.addf %add3A_450, %add3A_451 : vector<16xf32>
          %add3A_455 = arith.addf %add3A_452, %add3A_453 : vector<16xf32>
          %add3A_456 = arith.addf %add3A_454, %add3A_455 : vector<16xf32>
          %add3A_457 = arith.constant 3 : i32
          %add3A_458 = arith.addi %add3A_178, %add3A_457 : i32
          %swap3A_459 = arith.index_cast %add3A_458 : i32 to index
          %swap3A_460 = arith.constant 0 : index
          %swap3A_461 = tpu.vector_load %arg13[%swap3A_459, %swap3A_460] {strides = array<i32>} : memref<16x16xf32, #tpu.memory_space<vmem>>, vector<16xf32>,
          tpu.vector_store %arg13[%swap3A_459, %swap3A_460], %add3A_456 {strides = array<i32>} : memref<16x16xf32, #tpu.memory_space<vmem>>, vector<16xf32>,
          %add3A_462 = arith.addi %add3A_98, %add3A_178 : i32
          %add3A_463 = arith.constant 4 : i32
          %add3A_464 = arith.addi %add3A_462, %add3A_463 : i32
          %get3A_465 = arith.index_cast %add3A_464 : i32 to index
          %get3A_466 = arith.constant 0 : index
          %get3A_467 = tpu.vector_load %arg9[%get3A_465, %get3A_466] {strides = array<i32>} : memref<64x128xf32, #tpu.memory_space<vmem>>, vector<16xf32>,
          %get3A_468 = arith.index_cast %add3A_464 : i32 to index
          %get3A_469 = arith.constant 0 : index
          %get3A_470 = tpu.vector_load %arg11[%get3A_468, %get3A_469] {strides = array<i32>} : memref<64x128xf32, #tpu.memory_space<vmem>>, vector<16xf32>,
          %mul3A_471 = arith.mulf %get3A_467, %get3A_470 : vector<16xf32>
          %get3A_472 = arith.index_cast %add3A_464 : i32 to index
          %get3A_473 = arith.constant 16 : index
          %get3A_474 = tpu.vector_load %arg9[%get3A_472, %get3A_473] {strides = array<i32>} : memref<64x128xf32, #tpu.memory_space<vmem>>, vector<16xf32>,
          %get3A_475 = arith.index_cast %add3A_464 : i32 to index
          %get3A_476 = arith.constant 16 : index
          %get3A_477 = tpu.vector_load %arg11[%get3A_475, %get3A_476] {strides = array<i32>} : memref<64x128xf32, #tpu.memory_space<vmem>>, vector<16xf32>,
          %mul3A_478 = arith.mulf %get3A_474, %get3A_477 : vector<16xf32>
          %get3A_479 = arith.index_cast %add3A_464 : i32 to index
          %get3A_480 = arith.constant 32 : index
          %get3A_481 = tpu.vector_load %arg9[%get3A_479, %get3A_480] {strides = array<i32>} : memref<64x128xf32, #tpu.memory_space<vmem>>, vector<16xf32>,
          %get3A_482 = arith.index_cast %add3A_464 : i32 to index
          %get3A_483 = arith.constant 32 : index
          %get3A_484 = tpu.vector_load %arg11[%get3A_482, %get3A_483] {strides = array<i32>} : memref<64x128xf32, #tpu.memory_space<vmem>>, vector<16xf32>,
          %mul3A_485 = arith.mulf %get3A_481, %get3A_484 : vector<16xf32>
          %get3A_486 = arith.index_cast %add3A_464 : i32 to index
          %get3A_487 = arith.constant 48 : index
          %get3A_488 = tpu.vector_load %arg9[%get3A_486, %get3A_487] {strides = array<i32>} : memref<64x128xf32, #tpu.memory_space<vmem>>, vector<16xf32>,
          %get3A_489 = arith.index_cast %add3A_464 : i32 to index
          %get3A_490 = arith.constant 48 : index
          %get3A_491 = tpu.vector_load %arg11[%get3A_489, %get3A_490] {strides = array<i32>} : memref<64x128xf32, #tpu.memory_space<vmem>>, vector<16xf32>,
          %mul3A_492 = arith.mulf %get3A_488, %get3A_491 : vector<16xf32>
          %get3A_493 = arith.index_cast %add3A_464 : i32 to index
          %get3A_494 = arith.constant 64 : index
          %get3A_495 = tpu.vector_load %arg9[%get3A_493, %get3A_494] {strides = array<i32>} : memref<64x128xf32, #tpu.memory_space<vmem>>, vector<16xf32>,
          %get3A_496 = arith.index_cast %add3A_464 : i32 to index
          %get3A_497 = arith.constant 64 : index
          %get3A_498 = tpu.vector_load %arg11[%get3A_496, %get3A_497] {strides = array<i32>} : memref<64x128xf32, #tpu.memory_space<vmem>>, vector<16xf32>,
          %mul3A_499 = arith.mulf %get3A_495, %get3A_498 : vector<16xf32>
          %get3A_500 = arith.index_cast %add3A_464 : i32 to index
          %get3A_501 = arith.constant 80 : index
          %get3A_502 = tpu.vector_load %arg9[%get3A_500, %get3A_501] {strides = array<i32>} : memref<64x128xf32, #tpu.memory_space<vmem>>, vector<16xf32>,
          %get3A_503 = arith.index_cast %add3A_464 : i32 to index
          %get3A_504 = arith.constant 80 : index
          %get3A_505 = tpu.vector_load %arg11[%get3A_503, %get3A_504] {strides = array<i32>} : memref<64x128xf32, #tpu.memory_space<vmem>>, vector<16xf32>,
          %mul3A_506 = arith.mulf %get3A_502, %get3A_505 : vector<16xf32>
          %get3A_507 = arith.index_cast %add3A_464 : i32 to index
          %get3A_508 = arith.constant 96 : index
          %get3A_509 = tpu.vector_load %arg9[%get3A_507, %get3A_508] {strides = array<i32>} : memref<64x128xf32, #tpu.memory_space<vmem>>, vector<16xf32>,
          %get3A_510 = arith.index_cast %add3A_464 : i32 to index
          %get3A_511 = arith.constant 96 : index
          %get3A_512 = tpu.vector_load %arg11[%get3A_510, %get3A_511] {strides = array<i32>} : memref<64x128xf32, #tpu.memory_space<vmem>>, vector<16xf32>,
          %mul3A_513 = arith.mulf %get3A_509, %get3A_512 : vector<16xf32>
          %get3A_514 = arith.index_cast %add3A_464 : i32 to index
          %get3A_515 = arith.constant 112 : index
          %get3A_516 = tpu.vector_load %arg9[%get3A_514, %get3A_515] {strides = array<i32>} : memref<64x128xf32, #tpu.memory_space<vmem>>, vector<16xf32>,
          %get3A_517 = arith.index_cast %add3A_464 : i32 to index
          %get3A_518 = arith.constant 112 : index
          %get3A_519 = tpu.vector_load %arg11[%get3A_517, %get3A_518] {strides = array<i32>} : memref<64x128xf32, #tpu.memory_space<vmem>>, vector<16xf32>,
          %mul3A_520 = arith.mulf %get3A_516, %get3A_519 : vector<16xf32>
          %add3A_521 = arith.addf %mul3A_471, %mul3A_478 : vector<16xf32>
          %add3A_522 = arith.addf %mul3A_485, %mul3A_492 : vector<16xf32>
          %add3A_523 = arith.addf %mul3A_499, %mul3A_506 : vector<16xf32>
          %add3A_524 = arith.addf %mul3A_513, %mul3A_520 : vector<16xf32>
          %add3A_525 = arith.addf %add3A_521, %add3A_522 : vector<16xf32>
          %add3A_526 = arith.addf %add3A_523, %add3A_524 : vector<16xf32>
          %add3A_527 = arith.addf %add3A_525, %add3A_526 : vector<16xf32>
          %add3A_528 = arith.constant 4 : i32
          %add3A_529 = arith.addi %add3A_178, %add3A_528 : i32
          %swap3A_530 = arith.index_cast %add3A_529 : i32 to index
          %swap3A_531 = arith.constant 0 : index
          %swap3A_532 = tpu.vector_load %arg13[%swap3A_530, %swap3A_531] {strides = array<i32>} : memref<16x16xf32, #tpu.memory_space<vmem>>, vector<16xf32>,
          tpu.vector_store %arg13[%swap3A_530, %swap3A_531], %add3A_527 {strides = array<i32>} : memref<16x16xf32, #tpu.memory_space<vmem>>, vector<16xf32>,
          %add3A_533 = arith.addi %add3A_98, %add3A_178 : i32
          %add3A_534 = arith.constant 5 : i32
          %add3A_535 = arith.addi %add3A_533, %add3A_534 : i32
          %get3A_536 = arith.index_cast %add3A_535 : i32 to index
          %get3A_537 = arith.constant 0 : index
          %get3A_538 = tpu.vector_load %arg9[%get3A_536, %get3A_537] {strides = array<i32>} : memref<64x128xf32, #tpu.memory_space<vmem>>, vector<16xf32>,
          %get3A_539 = arith.index_cast %add3A_535 : i32 to index
          %get3A_540 = arith.constant 0 : index
          %get3A_541 = tpu.vector_load %arg11[%get3A_539, %get3A_540] {strides = array<i32>} : memref<64x128xf32, #tpu.memory_space<vmem>>, vector<16xf32>,
          %mul3A_542 = arith.mulf %get3A_538, %get3A_541 : vector<16xf32>
          %get3A_543 = arith.index_cast %add3A_535 : i32 to index
          %get3A_544 = arith.constant 16 : index
          %get3A_545 = tpu.vector_load %arg9[%get3A_543, %get3A_544] {strides = array<i32>} : memref<64x128xf32, #tpu.memory_space<vmem>>, vector<16xf32>,
          %get3A_546 = arith.index_cast %add3A_535 : i32 to index
          %get3A_547 = arith.constant 16 : index
          %get3A_548 = tpu.vector_load %arg11[%get3A_546, %get3A_547] {strides = array<i32>} : memref<64x128xf32, #tpu.memory_space<vmem>>, vector<16xf32>,
          %mul3A_549 = arith.mulf %get3A_545, %get3A_548 : vector<16xf32>
          %get3A_550 = arith.index_cast %add3A_535 : i32 to index
          %get3A_551 = arith.constant 32 : index
          %get3A_552 = tpu.vector_load %arg9[%get3A_550, %get3A_551] {strides = array<i32>} : memref<64x128xf32, #tpu.memory_space<vmem>>, vector<16xf32>,
          %get3A_553 = arith.index_cast %add3A_535 : i32 to index
          %get3A_554 = arith.constant 32 : index
          %get3A_555 = tpu.vector_load %arg11[%get3A_553, %get3A_554] {strides = array<i32>} : memref<64x128xf32, #tpu.memory_space<vmem>>, vector<16xf32>,
          %mul3A_556 = arith.mulf %get3A_552, %get3A_555 : vector<16xf32>
          %get3A_557 = arith.index_cast %add3A_535 : i32 to index
          %get3A_558 = arith.constant 48 : index
          %get3A_559 = tpu.vector_load %arg9[%get3A_557, %get3A_558] {strides = array<i32>} : memref<64x128xf32, #tpu.memory_space<vmem>>, vector<16xf32>,
          %get3A_560 = arith.index_cast %add3A_535 : i32 to index
          %get3A_561 = arith.constant 48 : index
          %get3A_562 = tpu.vector_load %arg11[%get3A_560, %get3A_561] {strides = array<i32>} : memref<64x128xf32, #tpu.memory_space<vmem>>, vector<16xf32>,
          %mul3A_563 = arith.mulf %get3A_559, %get3A_562 : vector<16xf32>
          %get3A_564 = arith.index_cast %add3A_535 : i32 to index
          %get3A_565 = arith.constant 64 : index
          %get3A_566 = tpu.vector_load %arg9[%get3A_564, %get3A_565] {strides = array<i32>} : memref<64x128xf32, #tpu.memory_space<vmem>>, vector<16xf32>,
          %get3A_567 = arith.index_cast %add3A_535 : i32 to index
          %get3A_568 = arith.constant 64 : index
          %get3A_569 = tpu.vector_load %arg11[%get3A_567, %get3A_568] {strides = array<i32>} : memref<64x128xf32, #tpu.memory_space<vmem>>, vector<16xf32>,
          %mul3A_570 = arith.mulf %get3A_566, %get3A_569 : vector<16xf32>
          %get3A_571 = arith.index_cast %add3A_535 : i32 to index
          %get3A_572 = arith.constant 80 : index
          %get3A_573 = tpu.vector_load %arg9[%get3A_571, %get3A_572] {strides = array<i32>} : memref<64x128xf32, #tpu.memory_space<vmem>>, vector<16xf32>,
          %get3A_574 = arith.index_cast %add3A_535 : i32 to index
          %get3A_575 = arith.constant 80 : index
          %get3A_576 = tpu.vector_load %arg11[%get3A_574, %get3A_575] {strides = array<i32>} : memref<64x128xf32, #tpu.memory_space<vmem>>, vector<16xf32>,
          %mul3A_577 = arith.mulf %get3A_573, %get3A_576 : vector<16xf32>
          %get3A_578 = arith.index_cast %add3A_535 : i32 to index
          %get3A_579 = arith.constant 96 : index
          %get3A_580 = tpu.vector_load %arg9[%get3A_578, %get3A_579] {strides = array<i32>} : memref<64x128xf32, #tpu.memory_space<vmem>>, vector<16xf32>,
          %get3A_581 = arith.index_cast %add3A_535 : i32 to index
          %get3A_582 = arith.constant 96 : index
          %get3A_583 = tpu.vector_load %arg11[%get3A_581, %get3A_582] {strides = array<i32>} : memref<64x128xf32, #tpu.memory_space<vmem>>, vector<16xf32>,
          %mul3A_584 = arith.mulf %get3A_580, %get3A_583 : vector<16xf32>
          %get3A_585 = arith.index_cast %add3A_535 : i32 to index
          %get3A_586 = arith.constant 112 : index
          %get3A_587 = tpu.vector_load %arg9[%get3A_585, %get3A_586] {strides = array<i32>} : memref<64x128xf32, #tpu.memory_space<vmem>>, vector<16xf32>,
          %get3A_588 = arith.index_cast %add3A_535 : i32 to index
          %get3A_589 = arith.constant 112 : index
          %get3A_590 = tpu.vector_load %arg11[%get3A_588, %get3A_589] {strides = array<i32>} : memref<64x128xf32, #tpu.memory_space<vmem>>, vector<16xf32>,
          %mul3A_591 = arith.mulf %get3A_587, %get3A_590 : vector<16xf32>
          %add3A_592 = arith.addf %mul3A_542, %mul3A_549 : vector<16xf32>
          %add3A_593 = arith.addf %mul3A_556, %mul3A_563 : vector<16xf32>
          %add3A_594 = arith.addf %mul3A_570, %mul3A_577 : vector<16xf32>
          %add3A_595 = arith.addf %mul3A_584, %mul3A_591 : vector<16xf32>
          %add3A_596 = arith.addf %add3A_592, %add3A_593 : vector<16xf32>
          %add3A_597 = arith.addf %add3A_594, %add3A_595 : vector<16xf32>
          %add3A_598 = arith.addf %add3A_596, %add3A_597 : vector<16xf32>
          %add3A_599 = arith.constant 5 : i32
          %add3A_600 = arith.addi %add3A_178, %add3A_599 : i32
          %swap3A_601 = arith.index_cast %add3A_600 : i32 to index
          %swap3A_602 = arith.constant 0 : index
          %swap3A_603 = tpu.vector_load %arg13[%swap3A_601, %swap3A_602] {strides = array<i32>} : memref<16x16xf32, #tpu.memory_space<vmem>>, vector<16xf32>,
          tpu.vector_store %arg13[%swap3A_601, %swap3A_602], %add3A_598 {strides = array<i32>} : memref<16x16xf32, #tpu.memory_space<vmem>>, vector<16xf32>,
          %add3A_604 = arith.addi %add3A_98, %add3A_178 : i32
          %add3A_605 = arith.constant 6 : i32
          %add3A_606 = arith.addi %add3A_604, %add3A_605 : i32
          %get3A_607 = arith.index_cast %add3A_606 : i32 to index
          %get3A_608 = arith.constant 0 : index
          %get3A_609 = tpu.vector_load %arg9[%get3A_607, %get3A_608] {strides = array<i32>} : memref<64x128xf32, #tpu.memory_space<vmem>>, vector<16xf32>,
          %get3A_610 = arith.index_cast %add3A_606 : i32 to index
          %get3A_611 = arith.constant 0 : index
          %get3A_612 = tpu.vector_load %arg11[%get3A_610, %get3A_611] {strides = array<i32>} : memref<64x128xf32, #tpu.memory_space<vmem>>, vector<16xf32>,
          %mul3A_613 = arith.mulf %get3A_609, %get3A_612 : vector<16xf32>
          %get3A_614 = arith.index_cast %add3A_606 : i32 to index
          %get3A_615 = arith.constant 16 : index
          %get3A_616 = tpu.vector_load %arg9[%get3A_614, %get3A_615] {strides = array<i32>} : memref<64x128xf32, #tpu.memory_space<vmem>>, vector<16xf32>,
          %get3A_617 = arith.index_cast %add3A_606 : i32 to index
          %get3A_618 = arith.constant 16 : index
          %get3A_619 = tpu.vector_load %arg11[%get3A_617, %get3A_618] {strides = array<i32>} : memref<64x128xf32, #tpu.memory_space<vmem>>, vector<16xf32>,
          %mul3A_620 = arith.mulf %get3A_616, %get3A_619 : vector<16xf32>
          %get3A_621 = arith.index_cast %add3A_606 : i32 to index
          %get3A_622 = arith.constant 32 : index
          %get3A_623 = tpu.vector_load %arg9[%get3A_621, %get3A_622] {strides = array<i32>} : memref<64x128xf32, #tpu.memory_space<vmem>>, vector<16xf32>,
          %get3A_624 = arith.index_cast %add3A_606 : i32 to index
          %get3A_625 = arith.constant 32 : index
          %get3A_626 = tpu.vector_load %arg11[%get3A_624, %get3A_625] {strides = array<i32>} : memref<64x128xf32, #tpu.memory_space<vmem>>, vector<16xf32>,
          %mul3A_627 = arith.mulf %get3A_623, %get3A_626 : vector<16xf32>
          %get3A_628 = arith.index_cast %add3A_606 : i32 to index
          %get3A_629 = arith.constant 48 : index
          %get3A_630 = tpu.vector_load %arg9[%get3A_628, %get3A_629] {strides = array<i32>} : memref<64x128xf32, #tpu.memory_space<vmem>>, vector<16xf32>,
          %get3A_631 = arith.index_cast %add3A_606 : i32 to index
          %get3A_632 = arith.constant 48 : index
          %get3A_633 = tpu.vector_load %arg11[%get3A_631, %get3A_632] {strides = array<i32>} : memref<64x128xf32, #tpu.memory_space<vmem>>, vector<16xf32>,
          %mul3A_634 = arith.mulf %get3A_630, %get3A_633 : vector<16xf32>
          %get3A_635 = arith.index_cast %add3A_606 : i32 to index
          %get3A_636 = arith.constant 64 : index
          %get3A_637 = tpu.vector_load %arg9[%get3A_635, %get3A_636] {strides = array<i32>} : memref<64x128xf32, #tpu.memory_space<vmem>>, vector<16xf32>,
          %get3A_638 = arith.index_cast %add3A_606 : i32 to index
          %get3A_639 = arith.constant 64 : index
          %get3A_640 = tpu.vector_load %arg11[%get3A_638, %get3A_639] {strides = array<i32>} : memref<64x128xf32, #tpu.memory_space<vmem>>, vector<16xf32>,
          %mul3A_641 = arith.mulf %get3A_637, %get3A_640 : vector<16xf32>
          %get3A_642 = arith.index_cast %add3A_606 : i32 to index
          %get3A_643 = arith.constant 80 : index
          %get3A_644 = tpu.vector_load %arg9[%get3A_642, %get3A_643] {strides = array<i32>} : memref<64x128xf32, #tpu.memory_space<vmem>>, vector<16xf32>,
          %get3A_645 = arith.index_cast %add3A_606 : i32 to index
          %get3A_646 = arith.constant 80 : index
          %get3A_647 = tpu.vector_load %arg11[%get3A_645, %get3A_646] {strides = array<i32>} : memref<64x128xf32, #tpu.memory_space<vmem>>, vector<16xf32>,
          %mul3A_648 = arith.mulf %get3A_644, %get3A_647 : vector<16xf32>
          %get3A_649 = arith.index_cast %add3A_606 : i32 to index
          %get3A_650 = arith.constant 96 : index
          %get3A_651 = tpu.vector_load %arg9[%get3A_649, %get3A_650] {strides = array<i32>} : memref<64x128xf32, #tpu.memory_space<vmem>>, vector<16xf32>,
          %get3A_652 = arith.index_cast %add3A_606 : i32 to index
          %get3A_653 = arith.constant 96 : index
          %get3A_654 = tpu.vector_load %arg11[%get3A_652, %get3A_653] {strides = array<i32>} : memref<64x128xf32, #tpu.memory_space<vmem>>, vector<16xf32>,
          %mul3A_655 = arith.mulf %get3A_651, %get3A_654 : vector<16xf32>
          %get3A_656 = arith.index_cast %add3A_606 : i32 to index
          %get3A_657 = arith.constant 112 : index
          %get3A_658 = tpu.vector_load %arg9[%get3A_656, %get3A_657] {strides = array<i32>} : memref<64x128xf32, #tpu.memory_space<vmem>>, vector<16xf32>,
          %get3A_659 = arith.index_cast %add3A_606 : i32 to index
          %get3A_660 = arith.constant 112 : index
          %get3A_661 = tpu.vector_load %arg11[%get3A_659, %get3A_660] {strides = array<i32>} : memref<64x128xf32, #tpu.memory_space<vmem>>, vector<16xf32>,
          %mul3A_662 = arith.mulf %get3A_658, %get3A_661 : vector<16xf32>
          %add3A_663 = arith.addf %mul3A_613, %mul3A_620 : vector<16xf32>
          %add3A_664 = arith.addf %mul3A_627, %mul3A_634 : vector<16xf32>
          %add3A_665 = arith.addf %mul3A_641, %mul3A_648 : vector<16xf32>
          %add3A_666 = arith.addf %mul3A_655, %mul3A_662 : vector<16xf32>
          %add3A_667 = arith.addf %add3A_663, %add3A_664 : vector<16xf32>
          %add3A_668 = arith.addf %add3A_665, %add3A_666 : vector<16xf32>
          %add3A_669 = arith.addf %add3A_667, %add3A_668 : vector<16xf32>
          %add3A_670 = arith.constant 6 : i32
          %add3A_671 = arith.addi %add3A_178, %add3A_670 : i32
          %swap3A_672 = arith.index_cast %add3A_671 : i32 to index
          %swap3A_673 = arith.constant 0 : index
          %swap3A_674 = tpu.vector_load %arg13[%swap3A_672, %swap3A_673] {strides = array<i32>} : memref<16x16xf32, #tpu.memory_space<vmem>>, vector<16xf32>,
          tpu.vector_store %arg13[%swap3A_672, %swap3A_673], %add3A_669 {strides = array<i32>} : memref<16x16xf32, #tpu.memory_space<vmem>>, vector<16xf32>,
          %add3A_675 = arith.addi %add3A_98, %add3A_178 : i32
          %add3A_676 = arith.constant 7 : i32
          %add3A_677 = arith.addi %add3A_675, %add3A_676 : i32
          %get3A_678 = arith.index_cast %add3A_677 : i32 to index
          %get3A_679 = arith.constant 0 : index
          %get3A_680 = tpu.vector_load %arg9[%get3A_678, %get3A_679] {strides = array<i32>} : memref<64x128xf32, #tpu.memory_space<vmem>>, vector<16xf32>,
          %get3A_681 = arith.index_cast %add3A_677 : i32 to index
          %get3A_682 = arith.constant 0 : index
          %get3A_683 = tpu.vector_load %arg11[%get3A_681, %get3A_682] {strides = array<i32>} : memref<64x128xf32, #tpu.memory_space<vmem>>, vector<16xf32>,
          %mul3A_684 = arith.mulf %get3A_680, %get3A_683 : vector<16xf32>
          %get3A_685 = arith.index_cast %add3A_677 : i32 to index
          %get3A_686 = arith.constant 16 : index
          %get3A_687 = tpu.vector_load %arg9[%get3A_685, %get3A_686] {strides = array<i32>} : memref<64x128xf32, #tpu.memory_space<vmem>>, vector<16xf32>,
          %get3A_688 = arith.index_cast %add3A_677 : i32 to index
          %get3A_689 = arith.constant 16 : index
          %get3A_690 = tpu.vector_load %arg11[%get3A_688, %get3A_689] {strides = array<i32>} : memref<64x128xf32, #tpu.memory_space<vmem>>, vector<16xf32>,
          %mul3A_691 = arith.mulf %get3A_687, %get3A_690 : vector<16xf32>
          %get3A_692 = arith.index_cast %add3A_677 : i32 to index
          %get3A_693 = arith.constant 32 : index
          %get3A_694 = tpu.vector_load %arg9[%get3A_692, %get3A_693] {strides = array<i32>} : memref<64x128xf32, #tpu.memory_space<vmem>>, vector<16xf32>,
          %get3A_695 = arith.index_cast %add3A_677 : i32 to index
          %get3A_696 = arith.constant 32 : index
          %get3A_697 = tpu.vector_load %arg11[%get3A_695, %get3A_696] {strides = array<i32>} : memref<64x128xf32, #tpu.memory_space<vmem>>, vector<16xf32>,
          %mul3A_698 = arith.mulf %get3A_694, %get3A_697 : vector<16xf32>
          %get3A_699 = arith.index_cast %add3A_677 : i32 to index
          %get3A_700 = arith.constant 48 : index
          %get3A_701 = tpu.vector_load %arg9[%get3A_699, %get3A_700] {strides = array<i32>} : memref<64x128xf32, #tpu.memory_space<vmem>>, vector<16xf32>,
          %get3A_702 = arith.index_cast %add3A_677 : i32 to index
          %get3A_703 = arith.constant 48 : index
          %get3A_704 = tpu.vector_load %arg11[%get3A_702, %get3A_703] {strides = array<i32>} : memref<64x128xf32, #tpu.memory_space<vmem>>, vector<16xf32>,
          %mul3A_705 = arith.mulf %get3A_701, %get3A_704 : vector<16xf32>
          %get3A_706 = arith.index_cast %add3A_677 : i32 to index
          %get3A_707 = arith.constant 64 : index
          %get3A_708 = tpu.vector_load %arg9[%get3A_706, %get3A_707] {strides = array<i32>} : memref<64x128xf32, #tpu.memory_space<vmem>>, vector<16xf32>,
          %get3A_709 = arith.index_cast %add3A_677 : i32 to index
          %get3A_710 = arith.constant 64 : index
          %get3A_711 = tpu.vector_load %arg11[%get3A_709, %get3A_710] {strides = array<i32>} : memref<64x128xf32, #tpu.memory_space<vmem>>, vector<16xf32>,
          %mul3A_712 = arith.mulf %get3A_708, %get3A_711 : vector<16xf32>
          %get3A_713 = arith.index_cast %add3A_677 : i32 to index
          %get3A_714 = arith.constant 80 : index
          %get3A_715 = tpu.vector_load %arg9[%get3A_713, %get3A_714] {strides = array<i32>} : memref<64x128xf32, #tpu.memory_space<vmem>>, vector<16xf32>,
          %get3A_716 = arith.index_cast %add3A_677 : i32 to index
          %get3A_717 = arith.constant 80 : index
          %get3A_718 = tpu.vector_load %arg11[%get3A_716, %get3A_717] {strides = array<i32>} : memref<64x128xf32, #tpu.memory_space<vmem>>, vector<16xf32>,
          %mul3A_719 = arith.mulf %get3A_715, %get3A_718 : vector<16xf32>
          %get3A_720 = arith.index_cast %add3A_677 : i32 to index
          %get3A_721 = arith.constant 96 : index
          %get3A_722 = tpu.vector_load %arg9[%get3A_720, %get3A_721] {strides = array<i32>} : memref<64x128xf32, #tpu.memory_space<vmem>>, vector<16xf32>,
          %get3A_723 = arith.index_cast %add3A_677 : i32 to index
          %get3A_724 = arith.constant 96 : index
          %get3A_725 = tpu.vector_load %arg11[%get3A_723, %get3A_724] {strides = array<i32>} : memref<64x128xf32, #tpu.memory_space<vmem>>, vector<16xf32>,
          %mul3A_726 = arith.mulf %get3A_722, %get3A_725 : vector<16xf32>
          %get3A_727 = arith.index_cast %add3A_677 : i32 to index
          %get3A_728 = arith.constant 112 : index
          %get3A_729 = tpu.vector_load %arg9[%get3A_727, %get3A_728] {strides = array<i32>} : memref<64x128xf32, #tpu.memory_space<vmem>>, vector<16xf32>,
          %get3A_730 = arith.index_cast %add3A_677 : i32 to index
          %get3A_731 = arith.constant 112 : index
          %get3A_732 = tpu.vector_load %arg11[%get3A_730, %get3A_731] {strides = array<i32>} : memref<64x128xf32, #tpu.memory_space<vmem>>, vector<16xf32>,
          %mul3A_733 = arith.mulf %get3A_729, %get3A_732 : vector<16xf32>
          %add3A_734 = arith.addf %mul3A_684, %mul3A_691 : vector<16xf32>
          %add3A_735 = arith.addf %mul3A_698, %mul3A_705 : vector<16xf32>
          %add3A_736 = arith.addf %mul3A_712, %mul3A_719 : vector<16xf32>
          %add3A_737 = arith.addf %mul3A_726, %mul3A_733 : vector<16xf32>
          %add3A_738 = arith.addf %add3A_734, %add3A_735 : vector<16xf32>
          %add3A_739 = arith.addf %add3A_736, %add3A_737 : vector<16xf32>
          %add3A_740 = arith.addf %add3A_738, %add3A_739 : vector<16xf32>
          %add3A_741 = arith.constant 7 : i32
          %add3A_742 = arith.addi %add3A_178, %add3A_741 : i32
          %swap3A_743 = arith.index_cast %add3A_742 : i32 to index
          %swap3A_744 = arith.constant 0 : index
          %swap3A_745 = tpu.vector_load %arg13[%swap3A_743, %swap3A_744] {strides = array<i32>} : memref<16x16xf32, #tpu.memory_space<vmem>>, vector<16xf32>,
          tpu.vector_store %arg13[%swap3A_743, %swap3A_744], %add3A_740 {strides = array<i32>} : memref<16x16xf32, #tpu.memory_space<vmem>>, vector<16xf32>,
        }
        %scan3A_103 = arith.constant 2 : i32
        %broadcast_in_dim3A = arith.constant 0 : i32
        %broadcast_in_dim3A_104 = vector.broadcast %broadcast_in_dim3A : i32 to vector<16xi32>
        %gather3A = tpu.vector_load_idx %arg13[%iota3A, %broadcast_in_dim3A_104] : memref<16x16xf32, #tpu.memory_space<vmem>>[vector<16xi32>, vector<16xi32>], vector<16xf32>,
        %broadcast_in_dim3A_105 = arith.constant 1 : i32
        %broadcast_in_dim3A_106 = vector.broadcast %broadcast_in_dim3A_105 : i32 to vector<16xi32>
        %gather3A_107 = tpu.vector_load_idx %arg13[%iota3A, %broadcast_in_dim3A_106] : memref<16x16xf32, #tpu.memory_space<vmem>>[vector<16xi32>, vector<16xi32>], vector<16xf32>,
        %broadcast_in_dim3A_108 = arith.constant 2 : i32
        %broadcast_in_dim3A_109 = vector.broadcast %broadcast_in_dim3A_108 : i32 to vector<16xi32>
        %gather3A_110 = tpu.vector_load_idx %arg13[%iota3A, %broadcast_in_dim3A_109] : memref<16x16xf32, #tpu.memory_space<vmem>>[vector<16xi32>, vector<16xi32>], vector<16xf32>,
        %broadcast_in_dim3A_111 = arith.constant 3 : i32
        %broadcast_in_dim3A_112 = vector.broadcast %broadcast_in_dim3A_111 : i32 to vector<16xi32>
        %gather3A_113 = tpu.vector_load_idx %arg13[%iota3A, %broadcast_in_dim3A_112] : memref<16x16xf32, #tpu.memory_space<vmem>>[vector<16xi32>, vector<16xi32>], vector<16xf32>,
        %broadcast_in_dim3A_114 = arith.constant 4 : i32
        %broadcast_in_dim3A_115 = vector.broadcast %broadcast_in_dim3A_114 : i32 to vector<16xi32>
        %gather3A_116 = tpu.vector_load_idx %arg13[%iota3A, %broadcast_in_dim3A_115] : memref<16x16xf32, #tpu.memory_space<vmem>>[vector<16xi32>, vector<16xi32>], vector<16xf32>,
        %broadcast_in_dim3A_117 = arith.constant 5 : i32
        %broadcast_in_dim3A_118 = vector.broadcast %broadcast_in_dim3A_117 : i32 to vector<16xi32>
        %gather3A_119 = tpu.vector_load_idx %arg13[%iota3A, %broadcast_in_dim3A_118] : memref<16x16xf32, #tpu.memory_space<vmem>>[vector<16xi32>, vector<16xi32>], vector<16xf32>,
        %broadcast_in_dim3A_120 = arith.constant 6 : i32
        %broadcast_in_dim3A_121 = vector.broadcast %broadcast_in_dim3A_120 : i32 to vector<16xi32>
        %gather3A_122 = tpu.vector_load_idx %arg13[%iota3A, %broadcast_in_dim3A_121] : memref<16x16xf32, #tpu.memory_space<vmem>>[vector<16xi32>, vector<16xi32>], vector<16xf32>,
        %broadcast_in_dim3A_123 = arith.constant 7 : i32
        %broadcast_in_dim3A_124 = vector.broadcast %broadcast_in_dim3A_123 : i32 to vector<16xi32>
        %gather3A_125 = tpu.vector_load_idx %arg13[%iota3A, %broadcast_in_dim3A_124] : memref<16x16xf32, #tpu.memory_space<vmem>>[vector<16xi32>, vector<16xi32>], vector<16xf32>,
        %broadcast_in_dim3A_126 = arith.constant 8 : i32
        %broadcast_in_dim3A_127 = vector.broadcast %broadcast_in_dim3A_126 : i32 to vector<16xi32>
        %gather3A_128 = tpu.vector_load_idx %arg13[%iota3A, %broadcast_in_dim3A_127] : memref<16x16xf32, #tpu.memory_space<vmem>>[vector<16xi32>, vector<16xi32>], vector<16xf32>,
        %broadcast_in_dim3A_129 = arith.constant 9 : i32
        %broadcast_in_dim3A_130 = vector.broadcast %broadcast_in_dim3A_129 : i32 to vector<16xi32>
        %gather3A_131 = tpu.vector_load_idx %arg13[%iota3A, %broadcast_in_dim3A_130] : memref<16x16xf32, #tpu.memory_space<vmem>>[vector<16xi32>, vector<16xi32>], vector<16xf32>,
        %broadcast_in_dim3A_132 = arith.constant 10 : i32
        %broadcast_in_dim3A_133 = vector.broadcast %broadcast_in_dim3A_132 : i32 to vector<16xi32>
        %gather3A_134 = tpu.vector_load_idx %arg13[%iota3A, %broadcast_in_dim3A_133] : memref<16x16xf32, #tpu.memory_space<vmem>>[vector<16xi32>, vector<16xi32>], vector<16xf32>,
        %broadcast_in_dim3A_135 = arith.constant 11 : i32
        %broadcast_in_dim3A_136 = vector.broadcast %broadcast_in_dim3A_135 : i32 to vector<16xi32>
        %gather3A_137 = tpu.vector_load_idx %arg13[%iota3A, %broadcast_in_dim3A_136] : memref<16x16xf32, #tpu.memory_space<vmem>>[vector<16xi32>, vector<16xi32>], vector<16xf32>,
        %broadcast_in_dim3A_138 = arith.constant 12 : i32
        %broadcast_in_dim3A_139 = vector.broadcast %broadcast_in_dim3A_138 : i32 to vector<16xi32>
        %gather3A_140 = tpu.vector_load_idx %arg13[%iota3A, %broadcast_in_dim3A_139] : memref<16x16xf32, #tpu.memory_space<vmem>>[vector<16xi32>, vector<16xi32>], vector<16xf32>,
        %broadcast_in_dim3A_141 = arith.constant 13 : i32
        %broadcast_in_dim3A_142 = vector.broadcast %broadcast_in_dim3A_141 : i32 to vector<16xi32>
        %gather3A_143 = tpu.vector_load_idx %arg13[%iota3A, %broadcast_in_dim3A_142] : memref<16x16xf32, #tpu.memory_space<vmem>>[vector<16xi32>, vector<16xi32>], vector<16xf32>,
        %broadcast_in_dim3A_144 = arith.constant 14 : i32
        %broadcast_in_dim3A_145 = vector.broadcast %broadcast_in_dim3A_144 : i32 to vector<16xi32>
        %gather3A_146 = tpu.vector_load_idx %arg13[%iota3A, %broadcast_in_dim3A_145] : memref<16x16xf32, #tpu.memory_space<vmem>>[vector<16xi32>, vector<16xi32>], vector<16xf32>,
        %broadcast_in_dim3A_147 = arith.constant 15 : i32
        %broadcast_in_dim3A_148 = vector.broadcast %broadcast_in_dim3A_147 : i32 to vector<16xi32>
        %gather3A_149 = tpu.vector_load_idx %arg13[%iota3A, %broadcast_in_dim3A_148] : memref<16x16xf32, #tpu.memory_space<vmem>>[vector<16xi32>, vector<16xi32>], vector<16xf32>,
        %add3A_150 = arith.addf %gather3A, %gather3A_107 : vector<16xf32>
        %add3A_151 = arith.addf %gather3A_110, %gather3A_113 : vector<16xf32>
        %add3A_152 = arith.addf %gather3A_116, %gather3A_119 : vector<16xf32>
        %add3A_153 = arith.addf %gather3A_122, %gather3A_125 : vector<16xf32>
        %add3A_154 = arith.addf %gather3A_128, %gather3A_131 : vector<16xf32>
        %add3A_155 = arith.addf %gather3A_134, %gather3A_137 : vector<16xf32>
        %add3A_156 = arith.addf %gather3A_140, %gather3A_143 : vector<16xf32>
        %add3A_157 = arith.addf %gather3A_146, %gather3A_149 : vector<16xf32>
        %add3A_158 = arith.addf %add3A_150, %add3A_151 : vector<16xf32>
        %add3A_159 = arith.addf %add3A_152, %add3A_153 : vector<16xf32>
        %add3A_160 = arith.addf %add3A_154, %add3A_155 : vector<16xf32>
        %add3A_161 = arith.addf %add3A_156, %add3A_157 : vector<16xf32>
        %add3A_162 = arith.addf %add3A_158, %add3A_159 : vector<16xf32>
        %add3A_163 = arith.addf %add3A_160, %add3A_161 : vector<16xf32>
        %add3A_164 = arith.addf %add3A_162, %add3A_163 : vector<16xf32>
        %neg3A = arith.constant 0.000000e+00 : f32
        %neg3A_165 = vector.broadcast %neg3A : f32 to vector<16xf32>
        %neg3A_166 = arith.subf %neg3A_165, %add3A_164 : vector<16xf32>
        %exp3A = math.exp %neg3A_166 : vector<16xf32>
        %add3A_167 = arith.constant 1.000000e+00 : f32
        %add3A_168 = vector.broadcast %add3A_167 : f32 to vector<16xf32>
        %add3A_169 = arith.addf %add3A_168, %exp3A : vector<16xf32>
        %div3A = arith.constant 1.000000e+01 : f32
        %div3A_170 = vector.broadcast %div3A : f32 to vector<16xf32>
        %div3A_171 = arith.divf %div3A_170, %add3A_169 : vector<16xf32>
        %add3A_172 = arith.addi %add3A_47, %add3A_98 : i32
        %swap3A = arith.index_cast %add3A_172 : i32 to index
        %swap3A_173 = tpu.vector_load %arg14[%swap3A] {strides = array<i32>} : memref<512xf32, #tpu.memory_space<vmem>>, vector<16xf32>,
        tpu.vector_store %arg14[%swap3A], %div3A_171 {strides = array<i32>} : memref<512xf32, #tpu.memory_space<vmem>>, vector<16xf32>,
      }
      %scan3A_72 = arith.constant 4 : i32
      %add3A_73 = arith.constant 128 : i32
      %add3A_74 = arith.addi %add3A_47, %add3A_73 : i32
      %lt3A = arith.constant 512 : i32
      %lt3A_75 = arith.cmpi slt, %add3A_74, %lt3A : i32
      %convert_element_type3A = arith.extui %lt3A_75 : i1 to i32
      %cond3A = arith.constant 0 : i32
      %cond3A_76 = arith.cmpi ne, %convert_element_type3A, %cond3A : i32
      scf.if %cond3A_76 {
        %add3A_94 = arith.constant 128 : i32
        %add3A_95 = arith.addi %add3A_47, %add3A_94 : i32
        %dma_start3A_96 = tpu.memref_slice %arg7[%add3A_95] : memref<512xi32, #tpu.memory_space<vmem>> -> memref<64xi32, #tpu.memory_space<vmem>>
        %dma_start3A_97 = arith.constant 0 : i32
        %dma_start3A_98 = arith.constant 0 : i32
        %dma_start3A_99 = tpu.memref_slice %arg4[%dma_start3A_97, %dma_start3A_98] : memref<100000x128xf32, #tpu.memory_space<hbm>> -> memref<100000x128xf32, #tpu.memory_space<hbm>>
        tpu.enqueue_indirect_dma source(%dma_start3A_99 : memref<100000x128xf32, #tpu.memory_space<hbm>>) target(%arg9 : memref<64x128xf32, #tpu.memory_space<vmem>>) offsets(%dma_start3A_96 : memref<64xi32, #tpu.memory_space<vmem>>) semaphore(%arg15 : memref<!tpu.dma_semaphore, #tpu.memory_space<semaphore_mem>>)
        %dma_start3A_100 = tpu.memref_slice %arg8[%add3A_95] : memref<512xi32, #tpu.memory_space<vmem>> -> memref<64xi32, #tpu.memory_space<vmem>>
        %dma_start3A_101 = arith.constant 0 : i32
        %dma_start3A_102 = arith.constant 0 : i32
        %dma_start3A_103 = tpu.memref_slice %arg5[%dma_start3A_101, %dma_start3A_102] : memref<100000x128xf32, #tpu.memory_space<hbm>> -> memref<100000x128xf32, #tpu.memory_space<hbm>>
        tpu.enqueue_indirect_dma source(%dma_start3A_103 : memref<100000x128xf32, #tpu.memory_space<hbm>>) target(%arg11 : memref<64x128xf32, #tpu.memory_space<vmem>>) offsets(%dma_start3A_100 : memref<64xi32, #tpu.memory_space<vmem>>) semaphore(%arg16 : memref<!tpu.dma_semaphore, #tpu.memory_space<semaphore_mem>>)
      } else {
      }
      %dma_wait3A_77 = arith.constant 0 : i32
      %dma_wait3A_78 = tpu.memref_slice %arg7[%dma_wait3A_77] : memref<512xi32, #tpu.memory_space<vmem>> -> memref<64xi32, #tpu.memory_space<vmem>>
      %dma_wait3A_79 = arith.constant 0 : i32
      %dma_wait3A_80 = arith.constant 0 : i32
      %dma_wait3A_81 = tpu.memref_slice %arg4[%dma_wait3A_79, %dma_wait3A_80] : memref<100000x128xf32, #tpu.memory_space<hbm>> -> memref<100000x128xf32, #tpu.memory_space<hbm>>
      tpu.wait_indirect_dma semaphore(%arg17 : memref<!tpu.dma_semaphore, #tpu.memory_space<semaphore_mem>>) src(%dma_wait3A_81 : memref<100000x128xf32, #tpu.memory_space<hbm>>) dst(%arg10 : memref<64x128xf32, #tpu.memory_space<vmem>>)
      %dma_wait3A_82 = arith.constant 0 : i32
      %dma_wait3A_83 = tpu.memref_slice %arg8[%dma_wait3A_82] : memref<512xi32, #tpu.memory_space<vmem>> -> memref<64xi32, #tpu.memory_space<vmem>>
      %dma_wait3A_84 = arith.constant 0 : i32
      %dma_wait3A_85 = arith.constant 0 : i32
      %dma_wait3A_86 = tpu.memref_slice %arg5[%dma_wait3A_84, %dma_wait3A_85] : memref<100000x128xf32, #tpu.memory_space<hbm>> -> memref<100000x128xf32, #tpu.memory_space<hbm>>
      tpu.wait_indirect_dma semaphore(%arg18 : memref<!tpu.dma_semaphore, #tpu.memory_space<semaphore_mem>>) src(%dma_wait3A_86 : memref<100000x128xf32, #tpu.memory_space<hbm>>) dst(%arg12 : memref<64x128xf32, #tpu.memory_space<vmem>>)
      %add3A_87 = arith.constant 64 : i32
      %add3A_88 = arith.addi %add3A_47, %add3A_87 : i32
      %scan3A_89 = arith.constant 0 : i32
      %scan3A_90 = arith.constant 4 : i32
      %scan3A_91 = arith.addi %scan3A_89, %scan3A_90 : i32
      %scan3A_92 = arith.constant 1 : i32
      scf.for %scan3A_94 = %scan3A_89 to %scan3A_91 step %scan3A_92  : i32 {
        %mul3A_95 = arith.constant 16 : i32
        %mul3A_96 = arith.muli %scan3A_94, %mul3A_95 : i32
        %add3A_97 = arith.constant 0 : i32
        %add3A_98 = arith.addi %add3A_97, %mul3A_96 : i32
        %scan3A_99 = arith.constant 0 : i32
        %scan3A_100 = arith.constant 2 : i32
        %scan3A_101 = arith.addi %scan3A_99, %scan3A_100 : i32
        %scan3A_102 = arith.constant 1 : i32
        scf.for %scan3A_174 = %scan3A_99 to %scan3A_101 step %scan3A_102  : i32 {
          %mul3A_175 = arith.constant 8 : i32
          %mul3A_176 = arith.muli %scan3A_174, %mul3A_175 : i32
          %add3A_177 = arith.constant 0 : i32
          %add3A_178 = arith.addi %add3A_177, %mul3A_176 : i32
          %add3A_179 = arith.addi %add3A_98, %add3A_178 : i32
          %add3A_180 = arith.constant 0 : i32
          %add3A_181 = arith.addi %add3A_179, %add3A_180 : i32
          %get3A = arith.index_cast %add3A_181 : i32 to index
          %get3A_182 = arith.constant 0 : index
          %get3A_183 = tpu.vector_load %arg10[%get3A, %get3A_182] {strides = array<i32>} : memref<64x128xf32, #tpu.memory_space<vmem>>, vector<16xf32>,
          %get3A_184 = arith.index_cast %add3A_181 : i32 to index
          %get3A_185 = arith.constant 0 : index
          %get3A_186 = tpu.vector_load %arg12[%get3A_184, %get3A_185] {strides = array<i32>} : memref<64x128xf32, #tpu.memory_space<vmem>>, vector<16xf32>,
          %mul3A_187 = arith.mulf %get3A_183, %get3A_186 : vector<16xf32>
          %get3A_188 = arith.index_cast %add3A_181 : i32 to index
          %get3A_189 = arith.constant 16 : index
          %get3A_190 = tpu.vector_load %arg10[%get3A_188, %get3A_189] {strides = array<i32>} : memref<64x128xf32, #tpu.memory_space<vmem>>, vector<16xf32>,
          %get3A_191 = arith.index_cast %add3A_181 : i32 to index
          %get3A_192 = arith.constant 16 : index
          %get3A_193 = tpu.vector_load %arg12[%get3A_191, %get3A_192] {strides = array<i32>} : memref<64x128xf32, #tpu.memory_space<vmem>>, vector<16xf32>,
          %mul3A_194 = arith.mulf %get3A_190, %get3A_193 : vector<16xf32>
          %get3A_195 = arith.index_cast %add3A_181 : i32 to index
          %get3A_196 = arith.constant 32 : index
          %get3A_197 = tpu.vector_load %arg10[%get3A_195, %get3A_196] {strides = array<i32>} : memref<64x128xf32, #tpu.memory_space<vmem>>, vector<16xf32>,
          %get3A_198 = arith.index_cast %add3A_181 : i32 to index
          %get3A_199 = arith.constant 32 : index
          %get3A_200 = tpu.vector_load %arg12[%get3A_198, %get3A_199] {strides = array<i32>} : memref<64x128xf32, #tpu.memory_space<vmem>>, vector<16xf32>,
          %mul3A_201 = arith.mulf %get3A_197, %get3A_200 : vector<16xf32>
          %get3A_202 = arith.index_cast %add3A_181 : i32 to index
          %get3A_203 = arith.constant 48 : index
          %get3A_204 = tpu.vector_load %arg10[%get3A_202, %get3A_203] {strides = array<i32>} : memref<64x128xf32, #tpu.memory_space<vmem>>, vector<16xf32>,
          %get3A_205 = arith.index_cast %add3A_181 : i32 to index
          %get3A_206 = arith.constant 48 : index
          %get3A_207 = tpu.vector_load %arg12[%get3A_205, %get3A_206] {strides = array<i32>} : memref<64x128xf32, #tpu.memory_space<vmem>>, vector<16xf32>,
          %mul3A_208 = arith.mulf %get3A_204, %get3A_207 : vector<16xf32>
          %get3A_209 = arith.index_cast %add3A_181 : i32 to index
          %get3A_210 = arith.constant 64 : index
          %get3A_211 = tpu.vector_load %arg10[%get3A_209, %get3A_210] {strides = array<i32>} : memref<64x128xf32, #tpu.memory_space<vmem>>, vector<16xf32>,
          %get3A_212 = arith.index_cast %add3A_181 : i32 to index
          %get3A_213 = arith.constant 64 : index
          %get3A_214 = tpu.vector_load %arg12[%get3A_212, %get3A_213] {strides = array<i32>} : memref<64x128xf32, #tpu.memory_space<vmem>>, vector<16xf32>,
          %mul3A_215 = arith.mulf %get3A_211, %get3A_214 : vector<16xf32>
          %get3A_216 = arith.index_cast %add3A_181 : i32 to index
          %get3A_217 = arith.constant 80 : index
          %get3A_218 = tpu.vector_load %arg10[%get3A_216, %get3A_217] {strides = array<i32>} : memref<64x128xf32, #tpu.memory_space<vmem>>, vector<16xf32>,
          %get3A_219 = arith.index_cast %add3A_181 : i32 to index
          %get3A_220 = arith.constant 80 : index
          %get3A_221 = tpu.vector_load %arg12[%get3A_219, %get3A_220] {strides = array<i32>} : memref<64x128xf32, #tpu.memory_space<vmem>>, vector<16xf32>,
          %mul3A_222 = arith.mulf %get3A_218, %get3A_221 : vector<16xf32>
          %get3A_223 = arith.index_cast %add3A_181 : i32 to index
          %get3A_224 = arith.constant 96 : index
          %get3A_225 = tpu.vector_load %arg10[%get3A_223, %get3A_224] {strides = array<i32>} : memref<64x128xf32, #tpu.memory_space<vmem>>, vector<16xf32>,
          %get3A_226 = arith.index_cast %add3A_181 : i32 to index
          %get3A_227 = arith.constant 96 : index
          %get3A_228 = tpu.vector_load %arg12[%get3A_226, %get3A_227] {strides = array<i32>} : memref<64x128xf32, #tpu.memory_space<vmem>>, vector<16xf32>,
          %mul3A_229 = arith.mulf %get3A_225, %get3A_228 : vector<16xf32>
          %get3A_230 = arith.index_cast %add3A_181 : i32 to index
          %get3A_231 = arith.constant 112 : index
          %get3A_232 = tpu.vector_load %arg10[%get3A_230, %get3A_231] {strides = array<i32>} : memref<64x128xf32, #tpu.memory_space<vmem>>, vector<16xf32>,
          %get3A_233 = arith.index_cast %add3A_181 : i32 to index
          %get3A_234 = arith.constant 112 : index
          %get3A_235 = tpu.vector_load %arg12[%get3A_233, %get3A_234] {strides = array<i32>} : memref<64x128xf32, #tpu.memory_space<vmem>>, vector<16xf32>,
          %mul3A_236 = arith.mulf %get3A_232, %get3A_235 : vector<16xf32>
          %add3A_237 = arith.addf %mul3A_187, %mul3A_194 : vector<16xf32>
          %add3A_238 = arith.addf %mul3A_201, %mul3A_208 : vector<16xf32>
          %add3A_239 = arith.addf %mul3A_215, %mul3A_222 : vector<16xf32>
          %add3A_240 = arith.addf %mul3A_229, %mul3A_236 : vector<16xf32>
          %add3A_241 = arith.addf %add3A_237, %add3A_238 : vector<16xf32>
          %add3A_242 = arith.addf %add3A_239, %add3A_240 : vector<16xf32>
          %add3A_243 = arith.addf %add3A_241, %add3A_242 : vector<16xf32>
          %add3A_244 = arith.constant 0 : i32
          %add3A_245 = arith.addi %add3A_178, %add3A_244 : i32
          %swap3A_246 = arith.index_cast %add3A_245 : i32 to index
          %swap3A_247 = arith.constant 0 : index
          %swap3A_248 = tpu.vector_load %arg13[%swap3A_246, %swap3A_247] {strides = array<i32>} : memref<16x16xf32, #tpu.memory_space<vmem>>, vector<16xf32>,
          tpu.vector_store %arg13[%swap3A_246, %swap3A_247], %add3A_243 {strides = array<i32>} : memref<16x16xf32, #tpu.memory_space<vmem>>, vector<16xf32>,
          %add3A_249 = arith.addi %add3A_98, %add3A_178 : i32
          %add3A_250 = arith.constant 1 : i32
          %add3A_251 = arith.addi %add3A_249, %add3A_250 : i32
          %get3A_252 = arith.index_cast %add3A_251 : i32 to index
          %get3A_253 = arith.constant 0 : index
          %get3A_254 = tpu.vector_load %arg10[%get3A_252, %get3A_253] {strides = array<i32>} : memref<64x128xf32, #tpu.memory_space<vmem>>, vector<16xf32>,
          %get3A_255 = arith.index_cast %add3A_251 : i32 to index
          %get3A_256 = arith.constant 0 : index
          %get3A_257 = tpu.vector_load %arg12[%get3A_255, %get3A_256] {strides = array<i32>} : memref<64x128xf32, #tpu.memory_space<vmem>>, vector<16xf32>,
          %mul3A_258 = arith.mulf %get3A_254, %get3A_257 : vector<16xf32>
          %get3A_259 = arith.index_cast %add3A_251 : i32 to index
          %get3A_260 = arith.constant 16 : index
          %get3A_261 = tpu.vector_load %arg10[%get3A_259, %get3A_260] {strides = array<i32>} : memref<64x128xf32, #tpu.memory_space<vmem>>, vector<16xf32>,
          %get3A_262 = arith.index_cast %add3A_251 : i32 to index
          %get3A_263 = arith.constant 16 : index
          %get3A_264 = tpu.vector_load %arg12[%get3A_262, %get3A_263] {strides = array<i32>} : memref<64x128xf32, #tpu.memory_space<vmem>>, vector<16xf32>,
          %mul3A_265 = arith.mulf %get3A_261, %get3A_264 : vector<16xf32>
          %get3A_266 = arith.index_cast %add3A_251 : i32 to index
          %get3A_267 = arith.constant 32 : index
          %get3A_268 = tpu.vector_load %arg10[%get3A_266, %get3A_267] {strides = array<i32>} : memref<64x128xf32, #tpu.memory_space<vmem>>, vector<16xf32>,
          %get3A_269 = arith.index_cast %add3A_251 : i32 to index
          %get3A_270 = arith.constant 32 : index
          %get3A_271 = tpu.vector_load %arg12[%get3A_269, %get3A_270] {strides = array<i32>} : memref<64x128xf32, #tpu.memory_space<vmem>>, vector<16xf32>,
          %mul3A_272 = arith.mulf %get3A_268, %get3A_271 : vector<16xf32>
          %get3A_273 = arith.index_cast %add3A_251 : i32 to index
          %get3A_274 = arith.constant 48 : index
          %get3A_275 = tpu.vector_load %arg10[%get3A_273, %get3A_274] {strides = array<i32>} : memref<64x128xf32, #tpu.memory_space<vmem>>, vector<16xf32>,
          %get3A_276 = arith.index_cast %add3A_251 : i32 to index
          %get3A_277 = arith.constant 48 : index
          %get3A_278 = tpu.vector_load %arg12[%get3A_276, %get3A_277] {strides = array<i32>} : memref<64x128xf32, #tpu.memory_space<vmem>>, vector<16xf32>,
          %mul3A_279 = arith.mulf %get3A_275, %get3A_278 : vector<16xf32>
          %get3A_280 = arith.index_cast %add3A_251 : i32 to index
          %get3A_281 = arith.constant 64 : index
          %get3A_282 = tpu.vector_load %arg10[%get3A_280, %get3A_281] {strides = array<i32>} : memref<64x128xf32, #tpu.memory_space<vmem>>, vector<16xf32>,
          %get3A_283 = arith.index_cast %add3A_251 : i32 to index
          %get3A_284 = arith.constant 64 : index
          %get3A_285 = tpu.vector_load %arg12[%get3A_283, %get3A_284] {strides = array<i32>} : memref<64x128xf32, #tpu.memory_space<vmem>>, vector<16xf32>,
          %mul3A_286 = arith.mulf %get3A_282, %get3A_285 : vector<16xf32>
          %get3A_287 = arith.index_cast %add3A_251 : i32 to index
          %get3A_288 = arith.constant 80 : index
          %get3A_289 = tpu.vector_load %arg10[%get3A_287, %get3A_288] {strides = array<i32>} : memref<64x128xf32, #tpu.memory_space<vmem>>, vector<16xf32>,
          %get3A_290 = arith.index_cast %add3A_251 : i32 to index
          %get3A_291 = arith.constant 80 : index
          %get3A_292 = tpu.vector_load %arg12[%get3A_290, %get3A_291] {strides = array<i32>} : memref<64x128xf32, #tpu.memory_space<vmem>>, vector<16xf32>,
          %mul3A_293 = arith.mulf %get3A_289, %get3A_292 : vector<16xf32>
          %get3A_294 = arith.index_cast %add3A_251 : i32 to index
          %get3A_295 = arith.constant 96 : index
          %get3A_296 = tpu.vector_load %arg10[%get3A_294, %get3A_295] {strides = array<i32>} : memref<64x128xf32, #tpu.memory_space<vmem>>, vector<16xf32>,
          %get3A_297 = arith.index_cast %add3A_251 : i32 to index
          %get3A_298 = arith.constant 96 : index
          %get3A_299 = tpu.vector_load %arg12[%get3A_297, %get3A_298] {strides = array<i32>} : memref<64x128xf32, #tpu.memory_space<vmem>>, vector<16xf32>,
          %mul3A_300 = arith.mulf %get3A_296, %get3A_299 : vector<16xf32>
          %get3A_301 = arith.index_cast %add3A_251 : i32 to index
          %get3A_302 = arith.constant 112 : index
          %get3A_303 = tpu.vector_load %arg10[%get3A_301, %get3A_302] {strides = array<i32>} : memref<64x128xf32, #tpu.memory_space<vmem>>, vector<16xf32>,
          %get3A_304 = arith.index_cast %add3A_251 : i32 to index
          %get3A_305 = arith.constant 112 : index
          %get3A_306 = tpu.vector_load %arg12[%get3A_304, %get3A_305] {strides = array<i32>} : memref<64x128xf32, #tpu.memory_space<vmem>>, vector<16xf32>,
          %mul3A_307 = arith.mulf %get3A_303, %get3A_306 : vector<16xf32>
          %add3A_308 = arith.addf %mul3A_258, %mul3A_265 : vector<16xf32>
          %add3A_309 = arith.addf %mul3A_272, %mul3A_279 : vector<16xf32>
          %add3A_310 = arith.addf %mul3A_286, %mul3A_293 : vector<16xf32>
          %add3A_311 = arith.addf %mul3A_300, %mul3A_307 : vector<16xf32>
          %add3A_312 = arith.addf %add3A_308, %add3A_309 : vector<16xf32>
          %add3A_313 = arith.addf %add3A_310, %add3A_311 : vector<16xf32>
          %add3A_314 = arith.addf %add3A_312, %add3A_313 : vector<16xf32>
          %add3A_315 = arith.constant 1 : i32
          %add3A_316 = arith.addi %add3A_178, %add3A_315 : i32
          %swap3A_317 = arith.index_cast %add3A_316 : i32 to index
          %swap3A_318 = arith.constant 0 : index
          %swap3A_319 = tpu.vector_load %arg13[%swap3A_317, %swap3A_318] {strides = array<i32>} : memref<16x16xf32, #tpu.memory_space<vmem>>, vector<16xf32>,
          tpu.vector_store %arg13[%swap3A_317, %swap3A_318], %add3A_314 {strides = array<i32>} : memref<16x16xf32, #tpu.memory_space<vmem>>, vector<16xf32>,
          %add3A_320 = arith.addi %add3A_98, %add3A_178 : i32
          %add3A_321 = arith.constant 2 : i32
          %add3A_322 = arith.addi %add3A_320, %add3A_321 : i32
          %get3A_323 = arith.index_cast %add3A_322 : i32 to index
          %get3A_324 = arith.constant 0 : index
          %get3A_325 = tpu.vector_load %arg10[%get3A_323, %get3A_324] {strides = array<i32>} : memref<64x128xf32, #tpu.memory_space<vmem>>, vector<16xf32>,
          %get3A_326 = arith.index_cast %add3A_322 : i32 to index
          %get3A_327 = arith.constant 0 : index
          %get3A_328 = tpu.vector_load %arg12[%get3A_326, %get3A_327] {strides = array<i32>} : memref<64x128xf32, #tpu.memory_space<vmem>>, vector<16xf32>,
          %mul3A_329 = arith.mulf %get3A_325, %get3A_328 : vector<16xf32>
          %get3A_330 = arith.index_cast %add3A_322 : i32 to index
          %get3A_331 = arith.constant 16 : index
          %get3A_332 = tpu.vector_load %arg10[%get3A_330, %get3A_331] {strides = array<i32>} : memref<64x128xf32, #tpu.memory_space<vmem>>, vector<16xf32>,
          %get3A_333 = arith.index_cast %add3A_322 : i32 to index
          %get3A_334 = arith.constant 16 : index
          %get3A_335 = tpu.vector_load %arg12[%get3A_333, %get3A_334] {strides = array<i32>} : memref<64x128xf32, #tpu.memory_space<vmem>>, vector<16xf32>,
          %mul3A_336 = arith.mulf %get3A_332, %get3A_335 : vector<16xf32>
          %get3A_337 = arith.index_cast %add3A_322 : i32 to index
          %get3A_338 = arith.constant 32 : index
          %get3A_339 = tpu.vector_load %arg10[%get3A_337, %get3A_338] {strides = array<i32>} : memref<64x128xf32, #tpu.memory_space<vmem>>, vector<16xf32>,
          %get3A_340 = arith.index_cast %add3A_322 : i32 to index
          %get3A_341 = arith.constant 32 : index
          %get3A_342 = tpu.vector_load %arg12[%get3A_340, %get3A_341] {strides = array<i32>} : memref<64x128xf32, #tpu.memory_space<vmem>>, vector<16xf32>,
          %mul3A_343 = arith.mulf %get3A_339, %get3A_342 : vector<16xf32>
          %get3A_344 = arith.index_cast %add3A_322 : i32 to index
          %get3A_345 = arith.constant 48 : index
          %get3A_346 = tpu.vector_load %arg10[%get3A_344, %get3A_345] {strides = array<i32>} : memref<64x128xf32, #tpu.memory_space<vmem>>, vector<16xf32>,
          %get3A_347 = arith.index_cast %add3A_322 : i32 to index
          %get3A_348 = arith.constant 48 : index
          %get3A_349 = tpu.vector_load %arg12[%get3A_347, %get3A_348] {strides = array<i32>} : memref<64x128xf32, #tpu.memory_space<vmem>>, vector<16xf32>,
          %mul3A_350 = arith.mulf %get3A_346, %get3A_349 : vector<16xf32>
          %get3A_351 = arith.index_cast %add3A_322 : i32 to index
          %get3A_352 = arith.constant 64 : index
          %get3A_353 = tpu.vector_load %arg10[%get3A_351, %get3A_352] {strides = array<i32>} : memref<64x128xf32, #tpu.memory_space<vmem>>, vector<16xf32>,
          %get3A_354 = arith.index_cast %add3A_322 : i32 to index
          %get3A_355 = arith.constant 64 : index
          %get3A_356 = tpu.vector_load %arg12[%get3A_354, %get3A_355] {strides = array<i32>} : memref<64x128xf32, #tpu.memory_space<vmem>>, vector<16xf32>,
          %mul3A_357 = arith.mulf %get3A_353, %get3A_356 : vector<16xf32>
          %get3A_358 = arith.index_cast %add3A_322 : i32 to index
          %get3A_359 = arith.constant 80 : index
          %get3A_360 = tpu.vector_load %arg10[%get3A_358, %get3A_359] {strides = array<i32>} : memref<64x128xf32, #tpu.memory_space<vmem>>, vector<16xf32>,
          %get3A_361 = arith.index_cast %add3A_322 : i32 to index
          %get3A_362 = arith.constant 80 : index
          %get3A_363 = tpu.vector_load %arg12[%get3A_361, %get3A_362] {strides = array<i32>} : memref<64x128xf32, #tpu.memory_space<vmem>>, vector<16xf32>,
          %mul3A_364 = arith.mulf %get3A_360, %get3A_363 : vector<16xf32>
          %get3A_365 = arith.index_cast %add3A_322 : i32 to index
          %get3A_366 = arith.constant 96 : index
          %get3A_367 = tpu.vector_load %arg10[%get3A_365, %get3A_366] {strides = array<i32>} : memref<64x128xf32, #tpu.memory_space<vmem>>, vector<16xf32>,
          %get3A_368 = arith.index_cast %add3A_322 : i32 to index
          %get3A_369 = arith.constant 96 : index
          %get3A_370 = tpu.vector_load %arg12[%get3A_368, %get3A_369] {strides = array<i32>} : memref<64x128xf32, #tpu.memory_space<vmem>>, vector<16xf32>,
          %mul3A_371 = arith.mulf %get3A_367, %get3A_370 : vector<16xf32>
          %get3A_372 = arith.index_cast %add3A_322 : i32 to index
          %get3A_373 = arith.constant 112 : index
          %get3A_374 = tpu.vector_load %arg10[%get3A_372, %get3A_373] {strides = array<i32>} : memref<64x128xf32, #tpu.memory_space<vmem>>, vector<16xf32>,
          %get3A_375 = arith.index_cast %add3A_322 : i32 to index
          %get3A_376 = arith.constant 112 : index
          %get3A_377 = tpu.vector_load %arg12[%get3A_375, %get3A_376] {strides = array<i32>} : memref<64x128xf32, #tpu.memory_space<vmem>>, vector<16xf32>,
          %mul3A_378 = arith.mulf %get3A_374, %get3A_377 : vector<16xf32>
          %add3A_379 = arith.addf %mul3A_329, %mul3A_336 : vector<16xf32>
          %add3A_380 = arith.addf %mul3A_343, %mul3A_350 : vector<16xf32>
          %add3A_381 = arith.addf %mul3A_357, %mul3A_364 : vector<16xf32>
          %add3A_382 = arith.addf %mul3A_371, %mul3A_378 : vector<16xf32>
          %add3A_383 = arith.addf %add3A_379, %add3A_380 : vector<16xf32>
          %add3A_384 = arith.addf %add3A_381, %add3A_382 : vector<16xf32>
          %add3A_385 = arith.addf %add3A_383, %add3A_384 : vector<16xf32>
          %add3A_386 = arith.constant 2 : i32
          %add3A_387 = arith.addi %add3A_178, %add3A_386 : i32
          %swap3A_388 = arith.index_cast %add3A_387 : i32 to index
          %swap3A_389 = arith.constant 0 : index
          %swap3A_390 = tpu.vector_load %arg13[%swap3A_388, %swap3A_389] {strides = array<i32>} : memref<16x16xf32, #tpu.memory_space<vmem>>, vector<16xf32>,
          tpu.vector_store %arg13[%swap3A_388, %swap3A_389], %add3A_385 {strides = array<i32>} : memref<16x16xf32, #tpu.memory_space<vmem>>, vector<16xf32>,
          %add3A_391 = arith.addi %add3A_98, %add3A_178 : i32
          %add3A_392 = arith.constant 3 : i32
          %add3A_393 = arith.addi %add3A_391, %add3A_392 : i32
          %get3A_394 = arith.index_cast %add3A_393 : i32 to index
          %get3A_395 = arith.constant 0 : index
          %get3A_396 = tpu.vector_load %arg10[%get3A_394, %get3A_395] {strides = array<i32>} : memref<64x128xf32, #tpu.memory_space<vmem>>, vector<16xf32>,
          %get3A_397 = arith.index_cast %add3A_393 : i32 to index
          %get3A_398 = arith.constant 0 : index
          %get3A_399 = tpu.vector_load %arg12[%get3A_397, %get3A_398] {strides = array<i32>} : memref<64x128xf32, #tpu.memory_space<vmem>>, vector<16xf32>,
          %mul3A_400 = arith.mulf %get3A_396, %get3A_399 : vector<16xf32>
          %get3A_401 = arith.index_cast %add3A_393 : i32 to index
          %get3A_402 = arith.constant 16 : index
          %get3A_403 = tpu.vector_load %arg10[%get3A_401, %get3A_402] {strides = array<i32>} : memref<64x128xf32, #tpu.memory_space<vmem>>, vector<16xf32>,
          %get3A_404 = arith.index_cast %add3A_393 : i32 to index
          %get3A_405 = arith.constant 16 : index
          %get3A_406 = tpu.vector_load %arg12[%get3A_404, %get3A_405] {strides = array<i32>} : memref<64x128xf32, #tpu.memory_space<vmem>>, vector<16xf32>,
          %mul3A_407 = arith.mulf %get3A_403, %get3A_406 : vector<16xf32>
          %get3A_408 = arith.index_cast %add3A_393 : i32 to index
          %get3A_409 = arith.constant 32 : index
          %get3A_410 = tpu.vector_load %arg10[%get3A_408, %get3A_409] {strides = array<i32>} : memref<64x128xf32, #tpu.memory_space<vmem>>, vector<16xf32>,
          %get3A_411 = arith.index_cast %add3A_393 : i32 to index
          %get3A_412 = arith.constant 32 : index
          %get3A_413 = tpu.vector_load %arg12[%get3A_411, %get3A_412] {strides = array<i32>} : memref<64x128xf32, #tpu.memory_space<vmem>>, vector<16xf32>,
          %mul3A_414 = arith.mulf %get3A_410, %get3A_413 : vector<16xf32>
          %get3A_415 = arith.index_cast %add3A_393 : i32 to index
          %get3A_416 = arith.constant 48 : index
          %get3A_417 = tpu.vector_load %arg10[%get3A_415, %get3A_416] {strides = array<i32>} : memref<64x128xf32, #tpu.memory_space<vmem>>, vector<16xf32>,
          %get3A_418 = arith.index_cast %add3A_393 : i32 to index
          %get3A_419 = arith.constant 48 : index
          %get3A_420 = tpu.vector_load %arg12[%get3A_418, %get3A_419] {strides = array<i32>} : memref<64x128xf32, #tpu.memory_space<vmem>>, vector<16xf32>,
          %mul3A_421 = arith.mulf %get3A_417, %get3A_420 : vector<16xf32>
          %get3A_422 = arith.index_cast %add3A_393 : i32 to index
          %get3A_423 = arith.constant 64 : index
          %get3A_424 = tpu.vector_load %arg10[%get3A_422, %get3A_423] {strides = array<i32>} : memref<64x128xf32, #tpu.memory_space<vmem>>, vector<16xf32>,
          %get3A_425 = arith.index_cast %add3A_393 : i32 to index
          %get3A_426 = arith.constant 64 : index
          %get3A_427 = tpu.vector_load %arg12[%get3A_425, %get3A_426] {strides = array<i32>} : memref<64x128xf32, #tpu.memory_space<vmem>>, vector<16xf32>,
          %mul3A_428 = arith.mulf %get3A_424, %get3A_427 : vector<16xf32>
          %get3A_429 = arith.index_cast %add3A_393 : i32 to index
          %get3A_430 = arith.constant 80 : index
          %get3A_431 = tpu.vector_load %arg10[%get3A_429, %get3A_430] {strides = array<i32>} : memref<64x128xf32, #tpu.memory_space<vmem>>, vector<16xf32>,
          %get3A_432 = arith.index_cast %add3A_393 : i32 to index
          %get3A_433 = arith.constant 80 : index
          %get3A_434 = tpu.vector_load %arg12[%get3A_432, %get3A_433] {strides = array<i32>} : memref<64x128xf32, #tpu.memory_space<vmem>>, vector<16xf32>,
          %mul3A_435 = arith.mulf %get3A_431, %get3A_434 : vector<16xf32>
          %get3A_436 = arith.index_cast %add3A_393 : i32 to index
          %get3A_437 = arith.constant 96 : index
          %get3A_438 = tpu.vector_load %arg10[%get3A_436, %get3A_437] {strides = array<i32>} : memref<64x128xf32, #tpu.memory_space<vmem>>, vector<16xf32>,
          %get3A_439 = arith.index_cast %add3A_393 : i32 to index
          %get3A_440 = arith.constant 96 : index
          %get3A_441 = tpu.vector_load %arg12[%get3A_439, %get3A_440] {strides = array<i32>} : memref<64x128xf32, #tpu.memory_space<vmem>>, vector<16xf32>,
          %mul3A_442 = arith.mulf %get3A_438, %get3A_441 : vector<16xf32>
          %get3A_443 = arith.index_cast %add3A_393 : i32 to index
          %get3A_444 = arith.constant 112 : index
          %get3A_445 = tpu.vector_load %arg10[%get3A_443, %get3A_444] {strides = array<i32>} : memref<64x128xf32, #tpu.memory_space<vmem>>, vector<16xf32>,
          %get3A_446 = arith.index_cast %add3A_393 : i32 to index
          %get3A_447 = arith.constant 112 : index
          %get3A_448 = tpu.vector_load %arg12[%get3A_446, %get3A_447] {strides = array<i32>} : memref<64x128xf32, #tpu.memory_space<vmem>>, vector<16xf32>,
          %mul3A_449 = arith.mulf %get3A_445, %get3A_448 : vector<16xf32>
          %add3A_450 = arith.addf %mul3A_400, %mul3A_407 : vector<16xf32>
          %add3A_451 = arith.addf %mul3A_414, %mul3A_421 : vector<16xf32>
          %add3A_452 = arith.addf %mul3A_428, %mul3A_435 : vector<16xf32>
          %add3A_453 = arith.addf %mul3A_442, %mul3A_449 : vector<16xf32>
          %add3A_454 = arith.addf %add3A_450, %add3A_451 : vector<16xf32>
          %add3A_455 = arith.addf %add3A_452, %add3A_453 : vector<16xf32>
          %add3A_456 = arith.addf %add3A_454, %add3A_455 : vector<16xf32>
          %add3A_457 = arith.constant 3 : i32
          %add3A_458 = arith.addi %add3A_178, %add3A_457 : i32
          %swap3A_459 = arith.index_cast %add3A_458 : i32 to index
          %swap3A_460 = arith.constant 0 : index
          %swap3A_461 = tpu.vector_load %arg13[%swap3A_459, %swap3A_460] {strides = array<i32>} : memref<16x16xf32, #tpu.memory_space<vmem>>, vector<16xf32>,
          tpu.vector_store %arg13[%swap3A_459, %swap3A_460], %add3A_456 {strides = array<i32>} : memref<16x16xf32, #tpu.memory_space<vmem>>, vector<16xf32>,
          %add3A_462 = arith.addi %add3A_98, %add3A_178 : i32
          %add3A_463 = arith.constant 4 : i32
          %add3A_464 = arith.addi %add3A_462, %add3A_463 : i32
          %get3A_465 = arith.index_cast %add3A_464 : i32 to index
          %get3A_466 = arith.constant 0 : index
          %get3A_467 = tpu.vector_load %arg10[%get3A_465, %get3A_466] {strides = array<i32>} : memref<64x128xf32, #tpu.memory_space<vmem>>, vector<16xf32>,
          %get3A_468 = arith.index_cast %add3A_464 : i32 to index
          %get3A_469 = arith.constant 0 : index
          %get3A_470 = tpu.vector_load %arg12[%get3A_468, %get3A_469] {strides = array<i32>} : memref<64x128xf32, #tpu.memory_space<vmem>>, vector<16xf32>,
          %mul3A_471 = arith.mulf %get3A_467, %get3A_470 : vector<16xf32>
          %get3A_472 = arith.index_cast %add3A_464 : i32 to index
          %get3A_473 = arith.constant 16 : index
          %get3A_474 = tpu.vector_load %arg10[%get3A_472, %get3A_473] {strides = array<i32>} : memref<64x128xf32, #tpu.memory_space<vmem>>, vector<16xf32>,
          %get3A_475 = arith.index_cast %add3A_464 : i32 to index
          %get3A_476 = arith.constant 16 : index
          %get3A_477 = tpu.vector_load %arg12[%get3A_475, %get3A_476] {strides = array<i32>} : memref<64x128xf32, #tpu.memory_space<vmem>>, vector<16xf32>,
          %mul3A_478 = arith.mulf %get3A_474, %get3A_477 : vector<16xf32>
          %get3A_479 = arith.index_cast %add3A_464 : i32 to index
          %get3A_480 = arith.constant 32 : index
          %get3A_481 = tpu.vector_load %arg10[%get3A_479, %get3A_480] {strides = array<i32>} : memref<64x128xf32, #tpu.memory_space<vmem>>, vector<16xf32>,
          %get3A_482 = arith.index_cast %add3A_464 : i32 to index
          %get3A_483 = arith.constant 32 : index
          %get3A_484 = tpu.vector_load %arg12[%get3A_482, %get3A_483] {strides = array<i32>} : memref<64x128xf32, #tpu.memory_space<vmem>>, vector<16xf32>,
          %mul3A_485 = arith.mulf %get3A_481, %get3A_484 : vector<16xf32>
          %get3A_486 = arith.index_cast %add3A_464 : i32 to index
          %get3A_487 = arith.constant 48 : index
          %get3A_488 = tpu.vector_load %arg10[%get3A_486, %get3A_487] {strides = array<i32>} : memref<64x128xf32, #tpu.memory_space<vmem>>, vector<16xf32>,
          %get3A_489 = arith.index_cast %add3A_464 : i32 to index
          %get3A_490 = arith.constant 48 : index
          %get3A_491 = tpu.vector_load %arg12[%get3A_489, %get3A_490] {strides = array<i32>} : memref<64x128xf32, #tpu.memory_space<vmem>>, vector<16xf32>,
          %mul3A_492 = arith.mulf %get3A_488, %get3A_491 : vector<16xf32>
          %get3A_493 = arith.index_cast %add3A_464 : i32 to index
          %get3A_494 = arith.constant 64 : index
          %get3A_495 = tpu.vector_load %arg10[%get3A_493, %get3A_494] {strides = array<i32>} : memref<64x128xf32, #tpu.memory_space<vmem>>, vector<16xf32>,
          %get3A_496 = arith.index_cast %add3A_464 : i32 to index
          %get3A_497 = arith.constant 64 : index
          %get3A_498 = tpu.vector_load %arg12[%get3A_496, %get3A_497] {strides = array<i32>} : memref<64x128xf32, #tpu.memory_space<vmem>>, vector<16xf32>,
          %mul3A_499 = arith.mulf %get3A_495, %get3A_498 : vector<16xf32>
          %get3A_500 = arith.index_cast %add3A_464 : i32 to index
          %get3A_501 = arith.constant 80 : index
          %get3A_502 = tpu.vector_load %arg10[%get3A_500, %get3A_501] {strides = array<i32>} : memref<64x128xf32, #tpu.memory_space<vmem>>, vector<16xf32>,
          %get3A_503 = arith.index_cast %add3A_464 : i32 to index
          %get3A_504 = arith.constant 80 : index
          %get3A_505 = tpu.vector_load %arg12[%get3A_503, %get3A_504] {strides = array<i32>} : memref<64x128xf32, #tpu.memory_space<vmem>>, vector<16xf32>,
          %mul3A_506 = arith.mulf %get3A_502, %get3A_505 : vector<16xf32>
          %get3A_507 = arith.index_cast %add3A_464 : i32 to index
          %get3A_508 = arith.constant 96 : index
          %get3A_509 = tpu.vector_load %arg10[%get3A_507, %get3A_508] {strides = array<i32>} : memref<64x128xf32, #tpu.memory_space<vmem>>, vector<16xf32>,
          %get3A_510 = arith.index_cast %add3A_464 : i32 to index
          %get3A_511 = arith.constant 96 : index
          %get3A_512 = tpu.vector_load %arg12[%get3A_510, %get3A_511] {strides = array<i32>} : memref<64x128xf32, #tpu.memory_space<vmem>>, vector<16xf32>,
          %mul3A_513 = arith.mulf %get3A_509, %get3A_512 : vector<16xf32>
          %get3A_514 = arith.index_cast %add3A_464 : i32 to index
          %get3A_515 = arith.constant 112 : index
          %get3A_516 = tpu.vector_load %arg10[%get3A_514, %get3A_515] {strides = array<i32>} : memref<64x128xf32, #tpu.memory_space<vmem>>, vector<16xf32>,
          %get3A_517 = arith.index_cast %add3A_464 : i32 to index
          %get3A_518 = arith.constant 112 : index
          %get3A_519 = tpu.vector_load %arg12[%get3A_517, %get3A_518] {strides = array<i32>} : memref<64x128xf32, #tpu.memory_space<vmem>>, vector<16xf32>,
          %mul3A_520 = arith.mulf %get3A_516, %get3A_519 : vector<16xf32>
          %add3A_521 = arith.addf %mul3A_471, %mul3A_478 : vector<16xf32>
          %add3A_522 = arith.addf %mul3A_485, %mul3A_492 : vector<16xf32>
          %add3A_523 = arith.addf %mul3A_499, %mul3A_506 : vector<16xf32>
          %add3A_524 = arith.addf %mul3A_513, %mul3A_520 : vector<16xf32>
          %add3A_525 = arith.addf %add3A_521, %add3A_522 : vector<16xf32>
          %add3A_526 = arith.addf %add3A_523, %add3A_524 : vector<16xf32>
          %add3A_527 = arith.addf %add3A_525, %add3A_526 : vector<16xf32>
          %add3A_528 = arith.constant 4 : i32
          %add3A_529 = arith.addi %add3A_178, %add3A_528 : i32
          %swap3A_530 = arith.index_cast %add3A_529 : i32 to index
          %swap3A_531 = arith.constant 0 : index
          %swap3A_532 = tpu.vector_load %arg13[%swap3A_530, %swap3A_531] {strides = array<i32>} : memref<16x16xf32, #tpu.memory_space<vmem>>, vector<16xf32>,
          tpu.vector_store %arg13[%swap3A_530, %swap3A_531], %add3A_527 {strides = array<i32>} : memref<16x16xf32, #tpu.memory_space<vmem>>, vector<16xf32>,
          %add3A_533 = arith.addi %add3A_98, %add3A_178 : i32
          %add3A_534 = arith.constant 5 : i32
          %add3A_535 = arith.addi %add3A_533, %add3A_534 : i32
          %get3A_536 = arith.index_cast %add3A_535 : i32 to index
          %get3A_537 = arith.constant 0 : index
          %get3A_538 = tpu.vector_load %arg10[%get3A_536, %get3A_537] {strides = array<i32>} : memref<64x128xf32, #tpu.memory_space<vmem>>, vector<16xf32>,
          %get3A_539 = arith.index_cast %add3A_535 : i32 to index
          %get3A_540 = arith.constant 0 : index
          %get3A_541 = tpu.vector_load %arg12[%get3A_539, %get3A_540] {strides = array<i32>} : memref<64x128xf32, #tpu.memory_space<vmem>>, vector<16xf32>,
          %mul3A_542 = arith.mulf %get3A_538, %get3A_541 : vector<16xf32>
          %get3A_543 = arith.index_cast %add3A_535 : i32 to index
          %get3A_544 = arith.constant 16 : index
          %get3A_545 = tpu.vector_load %arg10[%get3A_543, %get3A_544] {strides = array<i32>} : memref<64x128xf32, #tpu.memory_space<vmem>>, vector<16xf32>,
          %get3A_546 = arith.index_cast %add3A_535 : i32 to index
          %get3A_547 = arith.constant 16 : index
          %get3A_548 = tpu.vector_load %arg12[%get3A_546, %get3A_547] {strides = array<i32>} : memref<64x128xf32, #tpu.memory_space<vmem>>, vector<16xf32>,
          %mul3A_549 = arith.mulf %get3A_545, %get3A_548 : vector<16xf32>
          %get3A_550 = arith.index_cast %add3A_535 : i32 to index
          %get3A_551 = arith.constant 32 : index
          %get3A_552 = tpu.vector_load %arg10[%get3A_550, %get3A_551] {strides = array<i32>} : memref<64x128xf32, #tpu.memory_space<vmem>>, vector<16xf32>,
          %get3A_553 = arith.index_cast %add3A_535 : i32 to index
          %get3A_554 = arith.constant 32 : index
          %get3A_555 = tpu.vector_load %arg12[%get3A_553, %get3A_554] {strides = array<i32>} : memref<64x128xf32, #tpu.memory_space<vmem>>, vector<16xf32>,
          %mul3A_556 = arith.mulf %get3A_552, %get3A_555 : vector<16xf32>
          %get3A_557 = arith.index_cast %add3A_535 : i32 to index
          %get3A_558 = arith.constant 48 : index
          %get3A_559 = tpu.vector_load %arg10[%get3A_557, %get3A_558] {strides = array<i32>} : memref<64x128xf32, #tpu.memory_space<vmem>>, vector<16xf32>,
          %get3A_560 = arith.index_cast %add3A_535 : i32 to index
          %get3A_561 = arith.constant 48 : index
          %get3A_562 = tpu.vector_load %arg12[%get3A_560, %get3A_561] {strides = array<i32>} : memref<64x128xf32, #tpu.memory_space<vmem>>, vector<16xf32>,
          %mul3A_563 = arith.mulf %get3A_559, %get3A_562 : vector<16xf32>
          %get3A_564 = arith.index_cast %add3A_535 : i32 to index
          %get3A_565 = arith.constant 64 : index
          %get3A_566 = tpu.vector_load %arg10[%get3A_564, %get3A_565] {strides = array<i32>} : memref<64x128xf32, #tpu.memory_space<vmem>>, vector<16xf32>,
          %get3A_567 = arith.index_cast %add3A_535 : i32 to index
          %get3A_568 = arith.constant 64 : index
          %get3A_569 = tpu.vector_load %arg12[%get3A_567, %get3A_568] {strides = array<i32>} : memref<64x128xf32, #tpu.memory_space<vmem>>, vector<16xf32>,
          %mul3A_570 = arith.mulf %get3A_566, %get3A_569 : vector<16xf32>
          %get3A_571 = arith.index_cast %add3A_535 : i32 to index
          %get3A_572 = arith.constant 80 : index
          %get3A_573 = tpu.vector_load %arg10[%get3A_571, %get3A_572] {strides = array<i32>} : memref<64x128xf32, #tpu.memory_space<vmem>>, vector<16xf32>,
          %get3A_574 = arith.index_cast %add3A_535 : i32 to index
          %get3A_575 = arith.constant 80 : index
          %get3A_576 = tpu.vector_load %arg12[%get3A_574, %get3A_575] {strides = array<i32>} : memref<64x128xf32, #tpu.memory_space<vmem>>, vector<16xf32>,
          %mul3A_577 = arith.mulf %get3A_573, %get3A_576 : vector<16xf32>
          %get3A_578 = arith.index_cast %add3A_535 : i32 to index
          %get3A_579 = arith.constant 96 : index
          %get3A_580 = tpu.vector_load %arg10[%get3A_578, %get3A_579] {strides = array<i32>} : memref<64x128xf32, #tpu.memory_space<vmem>>, vector<16xf32>,
          %get3A_581 = arith.index_cast %add3A_535 : i32 to index
          %get3A_582 = arith.constant 96 : index
          %get3A_583 = tpu.vector_load %arg12[%get3A_581, %get3A_582] {strides = array<i32>} : memref<64x128xf32, #tpu.memory_space<vmem>>, vector<16xf32>,
          %mul3A_584 = arith.mulf %get3A_580, %get3A_583 : vector<16xf32>
          %get3A_585 = arith.index_cast %add3A_535 : i32 to index
          %get3A_586 = arith.constant 112 : index
          %get3A_587 = tpu.vector_load %arg10[%get3A_585, %get3A_586] {strides = array<i32>} : memref<64x128xf32, #tpu.memory_space<vmem>>, vector<16xf32>,
          %get3A_588 = arith.index_cast %add3A_535 : i32 to index
          %get3A_589 = arith.constant 112 : index
          %get3A_590 = tpu.vector_load %arg12[%get3A_588, %get3A_589] {strides = array<i32>} : memref<64x128xf32, #tpu.memory_space<vmem>>, vector<16xf32>,
          %mul3A_591 = arith.mulf %get3A_587, %get3A_590 : vector<16xf32>
          %add3A_592 = arith.addf %mul3A_542, %mul3A_549 : vector<16xf32>
          %add3A_593 = arith.addf %mul3A_556, %mul3A_563 : vector<16xf32>
          %add3A_594 = arith.addf %mul3A_570, %mul3A_577 : vector<16xf32>
          %add3A_595 = arith.addf %mul3A_584, %mul3A_591 : vector<16xf32>
          %add3A_596 = arith.addf %add3A_592, %add3A_593 : vector<16xf32>
          %add3A_597 = arith.addf %add3A_594, %add3A_595 : vector<16xf32>
          %add3A_598 = arith.addf %add3A_596, %add3A_597 : vector<16xf32>
          %add3A_599 = arith.constant 5 : i32
          %add3A_600 = arith.addi %add3A_178, %add3A_599 : i32
          %swap3A_601 = arith.index_cast %add3A_600 : i32 to index
          %swap3A_602 = arith.constant 0 : index
          %swap3A_603 = tpu.vector_load %arg13[%swap3A_601, %swap3A_602] {strides = array<i32>} : memref<16x16xf32, #tpu.memory_space<vmem>>, vector<16xf32>,
          tpu.vector_store %arg13[%swap3A_601, %swap3A_602], %add3A_598 {strides = array<i32>} : memref<16x16xf32, #tpu.memory_space<vmem>>, vector<16xf32>,
          %add3A_604 = arith.addi %add3A_98, %add3A_178 : i32
          %add3A_605 = arith.constant 6 : i32
          %add3A_606 = arith.addi %add3A_604, %add3A_605 : i32
          %get3A_607 = arith.index_cast %add3A_606 : i32 to index
          %get3A_608 = arith.constant 0 : index
          %get3A_609 = tpu.vector_load %arg10[%get3A_607, %get3A_608] {strides = array<i32>} : memref<64x128xf32, #tpu.memory_space<vmem>>, vector<16xf32>,
          %get3A_610 = arith.index_cast %add3A_606 : i32 to index
          %get3A_611 = arith.constant 0 : index
          %get3A_612 = tpu.vector_load %arg12[%get3A_610, %get3A_611] {strides = array<i32>} : memref<64x128xf32, #tpu.memory_space<vmem>>, vector<16xf32>,
          %mul3A_613 = arith.mulf %get3A_609, %get3A_612 : vector<16xf32>
          %get3A_614 = arith.index_cast %add3A_606 : i32 to index
          %get3A_615 = arith.constant 16 : index
          %get3A_616 = tpu.vector_load %arg10[%get3A_614, %get3A_615] {strides = array<i32>} : memref<64x128xf32, #tpu.memory_space<vmem>>, vector<16xf32>,
          %get3A_617 = arith.index_cast %add3A_606 : i32 to index
          %get3A_618 = arith.constant 16 : index
          %get3A_619 = tpu.vector_load %arg12[%get3A_617, %get3A_618] {strides = array<i32>} : memref<64x128xf32, #tpu.memory_space<vmem>>, vector<16xf32>,
          %mul3A_620 = arith.mulf %get3A_616, %get3A_619 : vector<16xf32>
          %get3A_621 = arith.index_cast %add3A_606 : i32 to index
          %get3A_622 = arith.constant 32 : index
          %get3A_623 = tpu.vector_load %arg10[%get3A_621, %get3A_622] {strides = array<i32>} : memref<64x128xf32, #tpu.memory_space<vmem>>, vector<16xf32>,
          %get3A_624 = arith.index_cast %add3A_606 : i32 to index
          %get3A_625 = arith.constant 32 : index
          %get3A_626 = tpu.vector_load %arg12[%get3A_624, %get3A_625] {strides = array<i32>} : memref<64x128xf32, #tpu.memory_space<vmem>>, vector<16xf32>,
          %mul3A_627 = arith.mulf %get3A_623, %get3A_626 : vector<16xf32>
          %get3A_628 = arith.index_cast %add3A_606 : i32 to index
          %get3A_629 = arith.constant 48 : index
          %get3A_630 = tpu.vector_load %arg10[%get3A_628, %get3A_629] {strides = array<i32>} : memref<64x128xf32, #tpu.memory_space<vmem>>, vector<16xf32>,
          %get3A_631 = arith.index_cast %add3A_606 : i32 to index
          %get3A_632 = arith.constant 48 : index
          %get3A_633 = tpu.vector_load %arg12[%get3A_631, %get3A_632] {strides = array<i32>} : memref<64x128xf32, #tpu.memory_space<vmem>>, vector<16xf32>,
          %mul3A_634 = arith.mulf %get3A_630, %get3A_633 : vector<16xf32>
          %get3A_635 = arith.index_cast %add3A_606 : i32 to index
          %get3A_636 = arith.constant 64 : index
          %get3A_637 = tpu.vector_load %arg10[%get3A_635, %get3A_636] {strides = array<i32>} : memref<64x128xf32, #tpu.memory_space<vmem>>, vector<16xf32>,
          %get3A_638 = arith.index_cast %add3A_606 : i32 to index
          %get3A_639 = arith.constant 64 : index
          %get3A_640 = tpu.vector_load %arg12[%get3A_638, %get3A_639] {strides = array<i32>} : memref<64x128xf32, #tpu.memory_space<vmem>>, vector<16xf32>,
          %mul3A_641 = arith.mulf %get3A_637, %get3A_640 : vector<16xf32>
          %get3A_642 = arith.index_cast %add3A_606 : i32 to index
          %get3A_643 = arith.constant 80 : index
          %get3A_644 = tpu.vector_load %arg10[%get3A_642, %get3A_643] {strides = array<i32>} : memref<64x128xf32, #tpu.memory_space<vmem>>, vector<16xf32>,
          %get3A_645 = arith.index_cast %add3A_606 : i32 to index
          %get3A_646 = arith.constant 80 : index
          %get3A_647 = tpu.vector_load %arg12[%get3A_645, %get3A_646] {strides = array<i32>} : memref<64x128xf32, #tpu.memory_space<vmem>>, vector<16xf32>,
          %mul3A_648 = arith.mulf %get3A_644, %get3A_647 : vector<16xf32>
          %get3A_649 = arith.index_cast %add3A_606 : i32 to index
          %get3A_650 = arith.constant 96 : index
          %get3A_651 = tpu.vector_load %arg10[%get3A_649, %get3A_650] {strides = array<i32>} : memref<64x128xf32, #tpu.memory_space<vmem>>, vector<16xf32>,
          %get3A_652 = arith.index_cast %add3A_606 : i32 to index
          %get3A_653 = arith.constant 96 : index
          %get3A_654 = tpu.vector_load %arg12[%get3A_652, %get3A_653] {strides = array<i32>} : memref<64x128xf32, #tpu.memory_space<vmem>>, vector<16xf32>,
          %mul3A_655 = arith.mulf %get3A_651, %get3A_654 : vector<16xf32>
          %get3A_656 = arith.index_cast %add3A_606 : i32 to index
          %get3A_657 = arith.constant 112 : index
          %get3A_658 = tpu.vector_load %arg10[%get3A_656, %get3A_657] {strides = array<i32>} : memref<64x128xf32, #tpu.memory_space<vmem>>, vector<16xf32>,
          %get3A_659 = arith.index_cast %add3A_606 : i32 to index
          %get3A_660 = arith.constant 112 : index
          %get3A_661 = tpu.vector_load %arg12[%get3A_659, %get3A_660] {strides = array<i32>} : memref<64x128xf32, #tpu.memory_space<vmem>>, vector<16xf32>,
          %mul3A_662 = arith.mulf %get3A_658, %get3A_661 : vector<16xf32>
          %add3A_663 = arith.addf %mul3A_613, %mul3A_620 : vector<16xf32>
          %add3A_664 = arith.addf %mul3A_627, %mul3A_634 : vector<16xf32>
          %add3A_665 = arith.addf %mul3A_641, %mul3A_648 : vector<16xf32>
          %add3A_666 = arith.addf %mul3A_655, %mul3A_662 : vector<16xf32>
          %add3A_667 = arith.addf %add3A_663, %add3A_664 : vector<16xf32>
          %add3A_668 = arith.addf %add3A_665, %add3A_666 : vector<16xf32>
          %add3A_669 = arith.addf %add3A_667, %add3A_668 : vector<16xf32>
          %add3A_670 = arith.constant 6 : i32
          %add3A_671 = arith.addi %add3A_178, %add3A_670 : i32
          %swap3A_672 = arith.index_cast %add3A_671 : i32 to index
          %swap3A_673 = arith.constant 0 : index
          %swap3A_674 = tpu.vector_load %arg13[%swap3A_672, %swap3A_673] {strides = array<i32>} : memref<16x16xf32, #tpu.memory_space<vmem>>, vector<16xf32>,
          tpu.vector_store %arg13[%swap3A_672, %swap3A_673], %add3A_669 {strides = array<i32>} : memref<16x16xf32, #tpu.memory_space<vmem>>, vector<16xf32>,
          %add3A_675 = arith.addi %add3A_98, %add3A_178 : i32
          %add3A_676 = arith.constant 7 : i32
          %add3A_677 = arith.addi %add3A_675, %add3A_676 : i32
          %get3A_678 = arith.index_cast %add3A_677 : i32 to index
          %get3A_679 = arith.constant 0 : index
          %get3A_680 = tpu.vector_load %arg10[%get3A_678, %get3A_679] {strides = array<i32>} : memref<64x128xf32, #tpu.memory_space<vmem>>, vector<16xf32>,
          %get3A_681 = arith.index_cast %add3A_677 : i32 to index
          %get3A_682 = arith.constant 0 : index
          %get3A_683 = tpu.vector_load %arg12[%get3A_681, %get3A_682] {strides = array<i32>} : memref<64x128xf32, #tpu.memory_space<vmem>>, vector<16xf32>,
          %mul3A_684 = arith.mulf %get3A_680, %get3A_683 : vector<16xf32>
          %get3A_685 = arith.index_cast %add3A_677 : i32 to index
          %get3A_686 = arith.constant 16 : index
          %get3A_687 = tpu.vector_load %arg10[%get3A_685, %get3A_686] {strides = array<i32>} : memref<64x128xf32, #tpu.memory_space<vmem>>, vector<16xf32>,
          %get3A_688 = arith.index_cast %add3A_677 : i32 to index
          %get3A_689 = arith.constant 16 : index
          %get3A_690 = tpu.vector_load %arg12[%get3A_688, %get3A_689] {strides = array<i32>} : memref<64x128xf32, #tpu.memory_space<vmem>>, vector<16xf32>,
          %mul3A_691 = arith.mulf %get3A_687, %get3A_690 : vector<16xf32>
          %get3A_692 = arith.index_cast %add3A_677 : i32 to index
          %get3A_693 = arith.constant 32 : index
          %get3A_694 = tpu.vector_load %arg10[%get3A_692, %get3A_693] {strides = array<i32>} : memref<64x128xf32, #tpu.memory_space<vmem>>, vector<16xf32>,
          %get3A_695 = arith.index_cast %add3A_677 : i32 to index
          %get3A_696 = arith.constant 32 : index
          %get3A_697 = tpu.vector_load %arg12[%get3A_695, %get3A_696] {strides = array<i32>} : memref<64x128xf32, #tpu.memory_space<vmem>>, vector<16xf32>,
          %mul3A_698 = arith.mulf %get3A_694, %get3A_697 : vector<16xf32>
          %get3A_699 = arith.index_cast %add3A_677 : i32 to index
          %get3A_700 = arith.constant 48 : index
          %get3A_701 = tpu.vector_load %arg10[%get3A_699, %get3A_700] {strides = array<i32>} : memref<64x128xf32, #tpu.memory_space<vmem>>, vector<16xf32>,
          %get3A_702 = arith.index_cast %add3A_677 : i32 to index
          %get3A_703 = arith.constant 48 : index
          %get3A_704 = tpu.vector_load %arg12[%get3A_702, %get3A_703] {strides = array<i32>} : memref<64x128xf32, #tpu.memory_space<vmem>>, vector<16xf32>,
          %mul3A_705 = arith.mulf %get3A_701, %get3A_704 : vector<16xf32>
          %get3A_706 = arith.index_cast %add3A_677 : i32 to index
          %get3A_707 = arith.constant 64 : index
          %get3A_708 = tpu.vector_load %arg10[%get3A_706, %get3A_707] {strides = array<i32>} : memref<64x128xf32, #tpu.memory_space<vmem>>, vector<16xf32>,
          %get3A_709 = arith.index_cast %add3A_677 : i32 to index
          %get3A_710 = arith.constant 64 : index
          %get3A_711 = tpu.vector_load %arg12[%get3A_709, %get3A_710] {strides = array<i32>} : memref<64x128xf32, #tpu.memory_space<vmem>>, vector<16xf32>,
          %mul3A_712 = arith.mulf %get3A_708, %get3A_711 : vector<16xf32>
          %get3A_713 = arith.index_cast %add3A_677 : i32 to index
          %get3A_714 = arith.constant 80 : index
          %get3A_715 = tpu.vector_load %arg10[%get3A_713, %get3A_714] {strides = array<i32>} : memref<64x128xf32, #tpu.memory_space<vmem>>, vector<16xf32>,
          %get3A_716 = arith.index_cast %add3A_677 : i32 to index
          %get3A_717 = arith.constant 80 : index
          %get3A_718 = tpu.vector_load %arg12[%get3A_716, %get3A_717] {strides = array<i32>} : memref<64x128xf32, #tpu.memory_space<vmem>>, vector<16xf32>,
          %mul3A_719 = arith.mulf %get3A_715, %get3A_718 : vector<16xf32>
          %get3A_720 = arith.index_cast %add3A_677 : i32 to index
          %get3A_721 = arith.constant 96 : index
          %get3A_722 = tpu.vector_load %arg10[%get3A_720, %get3A_721] {strides = array<i32>} : memref<64x128xf32, #tpu.memory_space<vmem>>, vector<16xf32>,
          %get3A_723 = arith.index_cast %add3A_677 : i32 to index
          %get3A_724 = arith.constant 96 : index
          %get3A_725 = tpu.vector_load %arg12[%get3A_723, %get3A_724] {strides = array<i32>} : memref<64x128xf32, #tpu.memory_space<vmem>>, vector<16xf32>,
          %mul3A_726 = arith.mulf %get3A_722, %get3A_725 : vector<16xf32>
          %get3A_727 = arith.index_cast %add3A_677 : i32 to index
          %get3A_728 = arith.constant 112 : index
          %get3A_729 = tpu.vector_load %arg10[%get3A_727, %get3A_728] {strides = array<i32>} : memref<64x128xf32, #tpu.memory_space<vmem>>, vector<16xf32>,
          %get3A_730 = arith.index_cast %add3A_677 : i32 to index
          %get3A_731 = arith.constant 112 : index
          %get3A_732 = tpu.vector_load %arg12[%get3A_730, %get3A_731] {strides = array<i32>} : memref<64x128xf32, #tpu.memory_space<vmem>>, vector<16xf32>,
          %mul3A_733 = arith.mulf %get3A_729, %get3A_732 : vector<16xf32>
          %add3A_734 = arith.addf %mul3A_684, %mul3A_691 : vector<16xf32>
          %add3A_735 = arith.addf %mul3A_698, %mul3A_705 : vector<16xf32>
          %add3A_736 = arith.addf %mul3A_712, %mul3A_719 : vector<16xf32>
          %add3A_737 = arith.addf %mul3A_726, %mul3A_733 : vector<16xf32>
          %add3A_738 = arith.addf %add3A_734, %add3A_735 : vector<16xf32>
          %add3A_739 = arith.addf %add3A_736, %add3A_737 : vector<16xf32>
          %add3A_740 = arith.addf %add3A_738, %add3A_739 : vector<16xf32>
          %add3A_741 = arith.constant 7 : i32
          %add3A_742 = arith.addi %add3A_178, %add3A_741 : i32
          %swap3A_743 = arith.index_cast %add3A_742 : i32 to index
          %swap3A_744 = arith.constant 0 : index
          %swap3A_745 = tpu.vector_load %arg13[%swap3A_743, %swap3A_744] {strides = array<i32>} : memref<16x16xf32, #tpu.memory_space<vmem>>, vector<16xf32>,
          tpu.vector_store %arg13[%swap3A_743, %swap3A_744], %add3A_740 {strides = array<i32>} : memref<16x16xf32, #tpu.memory_space<vmem>>, vector<16xf32>,
        }
        %scan3A_103 = arith.constant 2 : i32
        %broadcast_in_dim3A = arith.constant 0 : i32
        %broadcast_in_dim3A_104 = vector.broadcast %broadcast_in_dim3A : i32 to vector<16xi32>
        %gather3A = tpu.vector_load_idx %arg13[%iota3A, %broadcast_in_dim3A_104] : memref<16x16xf32, #tpu.memory_space<vmem>>[vector<16xi32>, vector<16xi32>], vector<16xf32>,
        %broadcast_in_dim3A_105 = arith.constant 1 : i32
        %broadcast_in_dim3A_106 = vector.broadcast %broadcast_in_dim3A_105 : i32 to vector<16xi32>
        %gather3A_107 = tpu.vector_load_idx %arg13[%iota3A, %broadcast_in_dim3A_106] : memref<16x16xf32, #tpu.memory_space<vmem>>[vector<16xi32>, vector<16xi32>], vector<16xf32>,
        %broadcast_in_dim3A_108 = arith.constant 2 : i32
        %broadcast_in_dim3A_109 = vector.broadcast %broadcast_in_dim3A_108 : i32 to vector<16xi32>
        %gather3A_110 = tpu.vector_load_idx %arg13[%iota3A, %broadcast_in_dim3A_109] : memref<16x16xf32, #tpu.memory_space<vmem>>[vector<16xi32>, vector<16xi32>], vector<16xf32>,
        %broadcast_in_dim3A_111 = arith.constant 3 : i32
        %broadcast_in_dim3A_112 = vector.broadcast %broadcast_in_dim3A_111 : i32 to vector<16xi32>
        %gather3A_113 = tpu.vector_load_idx %arg13[%iota3A, %broadcast_in_dim3A_112] : memref<16x16xf32, #tpu.memory_space<vmem>>[vector<16xi32>, vector<16xi32>], vector<16xf32>,
        %broadcast_in_dim3A_114 = arith.constant 4 : i32
        %broadcast_in_dim3A_115 = vector.broadcast %broadcast_in_dim3A_114 : i32 to vector<16xi32>
        %gather3A_116 = tpu.vector_load_idx %arg13[%iota3A, %broadcast_in_dim3A_115] : memref<16x16xf32, #tpu.memory_space<vmem>>[vector<16xi32>, vector<16xi32>], vector<16xf32>,
        %broadcast_in_dim3A_117 = arith.constant 5 : i32
        %broadcast_in_dim3A_118 = vector.broadcast %broadcast_in_dim3A_117 : i32 to vector<16xi32>
        %gather3A_119 = tpu.vector_load_idx %arg13[%iota3A, %broadcast_in_dim3A_118] : memref<16x16xf32, #tpu.memory_space<vmem>>[vector<16xi32>, vector<16xi32>], vector<16xf32>,
        %broadcast_in_dim3A_120 = arith.constant 6 : i32
        %broadcast_in_dim3A_121 = vector.broadcast %broadcast_in_dim3A_120 : i32 to vector<16xi32>
        %gather3A_122 = tpu.vector_load_idx %arg13[%iota3A, %broadcast_in_dim3A_121] : memref<16x16xf32, #tpu.memory_space<vmem>>[vector<16xi32>, vector<16xi32>], vector<16xf32>,
        %broadcast_in_dim3A_123 = arith.constant 7 : i32
        %broadcast_in_dim3A_124 = vector.broadcast %broadcast_in_dim3A_123 : i32 to vector<16xi32>
        %gather3A_125 = tpu.vector_load_idx %arg13[%iota3A, %broadcast_in_dim3A_124] : memref<16x16xf32, #tpu.memory_space<vmem>>[vector<16xi32>, vector<16xi32>], vector<16xf32>,
        %broadcast_in_dim3A_126 = arith.constant 8 : i32
        %broadcast_in_dim3A_127 = vector.broadcast %broadcast_in_dim3A_126 : i32 to vector<16xi32>
        %gather3A_128 = tpu.vector_load_idx %arg13[%iota3A, %broadcast_in_dim3A_127] : memref<16x16xf32, #tpu.memory_space<vmem>>[vector<16xi32>, vector<16xi32>], vector<16xf32>,
        %broadcast_in_dim3A_129 = arith.constant 9 : i32
        %broadcast_in_dim3A_130 = vector.broadcast %broadcast_in_dim3A_129 : i32 to vector<16xi32>
        %gather3A_131 = tpu.vector_load_idx %arg13[%iota3A, %broadcast_in_dim3A_130] : memref<16x16xf32, #tpu.memory_space<vmem>>[vector<16xi32>, vector<16xi32>], vector<16xf32>,
        %broadcast_in_dim3A_132 = arith.constant 10 : i32
        %broadcast_in_dim3A_133 = vector.broadcast %broadcast_in_dim3A_132 : i32 to vector<16xi32>
        %gather3A_134 = tpu.vector_load_idx %arg13[%iota3A, %broadcast_in_dim3A_133] : memref<16x16xf32, #tpu.memory_space<vmem>>[vector<16xi32>, vector<16xi32>], vector<16xf32>,
        %broadcast_in_dim3A_135 = arith.constant 11 : i32
        %broadcast_in_dim3A_136 = vector.broadcast %broadcast_in_dim3A_135 : i32 to vector<16xi32>
        %gather3A_137 = tpu.vector_load_idx %arg13[%iota3A, %broadcast_in_dim3A_136] : memref<16x16xf32, #tpu.memory_space<vmem>>[vector<16xi32>, vector<16xi32>], vector<16xf32>,
        %broadcast_in_dim3A_138 = arith.constant 12 : i32
        %broadcast_in_dim3A_139 = vector.broadcast %broadcast_in_dim3A_138 : i32 to vector<16xi32>
        %gather3A_140 = tpu.vector_load_idx %arg13[%iota3A, %broadcast_in_dim3A_139] : memref<16x16xf32, #tpu.memory_space<vmem>>[vector<16xi32>, vector<16xi32>], vector<16xf32>,
        %broadcast_in_dim3A_141 = arith.constant 13 : i32
        %broadcast_in_dim3A_142 = vector.broadcast %broadcast_in_dim3A_141 : i32 to vector<16xi32>
        %gather3A_143 = tpu.vector_load_idx %arg13[%iota3A, %broadcast_in_dim3A_142] : memref<16x16xf32, #tpu.memory_space<vmem>>[vector<16xi32>, vector<16xi32>], vector<16xf32>,
        %broadcast_in_dim3A_144 = arith.constant 14 : i32
        %broadcast_in_dim3A_145 = vector.broadcast %broadcast_in_dim3A_144 : i32 to vector<16xi32>
        %gather3A_146 = tpu.vector_load_idx %arg13[%iota3A, %broadcast_in_dim3A_145] : memref<16x16xf32, #tpu.memory_space<vmem>>[vector<16xi32>, vector<16xi32>], vector<16xf32>,
        %broadcast_in_dim3A_147 = arith.constant 15 : i32
        %broadcast_in_dim3A_148 = vector.broadcast %broadcast_in_dim3A_147 : i32 to vector<16xi32>
        %gather3A_149 = tpu.vector_load_idx %arg13[%iota3A, %broadcast_in_dim3A_148] : memref<16x16xf32, #tpu.memory_space<vmem>>[vector<16xi32>, vector<16xi32>], vector<16xf32>,
        %add3A_150 = arith.addf %gather3A, %gather3A_107 : vector<16xf32>
        %add3A_151 = arith.addf %gather3A_110, %gather3A_113 : vector<16xf32>
        %add3A_152 = arith.addf %gather3A_116, %gather3A_119 : vector<16xf32>
        %add3A_153 = arith.addf %gather3A_122, %gather3A_125 : vector<16xf32>
        %add3A_154 = arith.addf %gather3A_128, %gather3A_131 : vector<16xf32>
        %add3A_155 = arith.addf %gather3A_134, %gather3A_137 : vector<16xf32>
        %add3A_156 = arith.addf %gather3A_140, %gather3A_143 : vector<16xf32>
        %add3A_157 = arith.addf %gather3A_146, %gather3A_149 : vector<16xf32>
        %add3A_158 = arith.addf %add3A_150, %add3A_151 : vector<16xf32>
        %add3A_159 = arith.addf %add3A_152, %add3A_153 : vector<16xf32>
        %add3A_160 = arith.addf %add3A_154, %add3A_155 : vector<16xf32>
        %add3A_161 = arith.addf %add3A_156, %add3A_157 : vector<16xf32>
        %add3A_162 = arith.addf %add3A_158, %add3A_159 : vector<16xf32>
        %add3A_163 = arith.addf %add3A_160, %add3A_161 : vector<16xf32>
        %add3A_164 = arith.addf %add3A_162, %add3A_163 : vector<16xf32>
        %neg3A = arith.constant 0.000000e+00 : f32
        %neg3A_165 = vector.broadcast %neg3A : f32 to vector<16xf32>
        %neg3A_166 = arith.subf %neg3A_165, %add3A_164 : vector<16xf32>
        %exp3A = math.exp %neg3A_166 : vector<16xf32>
        %add3A_167 = arith.constant 1.000000e+00 : f32
        %add3A_168 = vector.broadcast %add3A_167 : f32 to vector<16xf32>
        %add3A_169 = arith.addf %add3A_168, %exp3A : vector<16xf32>
        %div3A = arith.constant 1.000000e+01 : f32
        %div3A_170 = vector.broadcast %div3A : f32 to vector<16xf32>
        %div3A_171 = arith.divf %div3A_170, %add3A_169 : vector<16xf32>
        %add3A_172 = arith.addi %add3A_88, %add3A_98 : i32
        %swap3A = arith.index_cast %add3A_172 : i32 to index
        %swap3A_173 = tpu.vector_load %arg14[%swap3A] {strides = array<i32>} : memref<512xf32, #tpu.memory_space<vmem>>, vector<16xf32>,
        tpu.vector_store %arg14[%swap3A], %div3A_171 {strides = array<i32>} : memref<512xf32, #tpu.memory_space<vmem>>, vector<16xf32>,
      }
      %scan3A_93 = arith.constant 4 : i32
    }
    %scan3A_42 = arith.constant 4 : i32
    "tpu.region"() ({
      %run_scoped3A = tpu.sem_alloc : memref<!tpu.dma_semaphore, #tpu.memory_space<semaphore_mem>>
      %dma_start3A_43 = tpu.memref_slice %arg6[%mul3A_2] : memref<16384xf32, #tpu.memory_space<hbm>> -> memref<512xf32, #tpu.memory_space<hbm>>
      %dma_start3A_44 = tpu.memref_slice %arg6[%mul3A_2] : memref<16384xf32, #tpu.memory_space<hbm>> -> memref<512xf32, #tpu.memory_space<hbm>>
      tpu.enqueue_dma source(%arg14 : memref<512xf32, #tpu.memory_space<vmem>>) target(%dma_start3A_44 : memref<512xf32, #tpu.memory_space<hbm>>) target_semaphore(%run_scoped3A : memref<!tpu.dma_semaphore, #tpu.memory_space<semaphore_mem>>)
      %dma_wait3A_45 = tpu.memref_slice %arg6[%mul3A_2] : memref<16384xf32, #tpu.memory_space<hbm>> -> memref<512xf32, #tpu.memory_space<hbm>>
      %dma_wait3A_46 = tpu.memref_slice %arg6[%mul3A_2] : memref<16384xf32, #tpu.memory_space<hbm>> -> memref<512xf32, #tpu.memory_space<hbm>>
      tpu.wait_dma2 semaphore(%run_scoped3A : memref<!tpu.dma_semaphore, #tpu.memory_space<semaphore_mem>>) src(%arg14 : memref<512xf32, #tpu.memory_space<vmem>>) dst(%dma_wait3A_46 : memref<512xf32, #tpu.memory_space<hbm>>)
      tpu.yield
    }) : () -> ()
    return
  }
}

</mosaic_0001>

<sc_bundles>
// kernel: kernel.3.cloned.1.call-start
scs
__scs_entry_jumppad:
0x0: {  	(pc) =	sbr.rel $0x88, $3  }
0x1: {  	(tag) =	ssettag $0x0;
	lr =	simm.s32 $0x1  }
0x2: {  	[smem:$0x3F9D] =	sst lr;
	_ =	strace $0xD0000000  }
0x3: {  	_ = 	snop  }
0x4: {  	_ = 	snop  }
0x5: {  	_ = 	snop  }
0x6: {  	_ = 	snop  }
0x7: {  	_ = 	snop  }
__scs_overlays_trampoline_lowered:
0x8: {  	[smem:$0x3FAC] =	sst s0  }
0x9: {  	[smem:$0x3FAD] =	sst s1  }
0xa: {  	[smem:$0x3FAE] =	sst s2  }
0xb: {  	[smem:$0x3FAF] =	sst s3  }
0xc: {  	[smem:$0x3FB0] =	sst s4  }
0xd: {  	[smem:$0x3FB1] =	sst s5  }
0xe: {  	[smem:$0x3FB2] =	sst s6  }
0xf: {  	[smem:$0x3FB3] =	sst s7  }
0x10: {  	[smem:$0x3FB4] =	sst s8  }
0x11: {  	[smem:$0x3FB5] =	sst s9;
	s0 =	simm.s32 @!p0 $0x0  }
0x12: {  	s1 =	sld [smem:$0x3F9B];
	s0 =	simm.s32 @p0 $0x1  }
0x13: {  	[smem:$0x3FB6] =	sst s0;
	s0 =	simm.s32 @!p1 $0x0  }
0x14: {  	s2 =	sld [smem:$0x3F9A];
	s0 =	simm.s32 @p1 $0x1  }
0x15: {  	[smem:$0x3FB7] =	sst s0;
	s0 =	simm.s32 @!p2 $0x0  }
0x16: {  	s3 =	sld [smem:$0x3FDB];
	s0 =	simm.s32 @p2 $0x1  }
0x17: {  	s4 =	simm.s32 $0x1BF5;
	[smem:$0x3FB9] =	sst s0  }
0x18: {  	s0 =	sld [smem:$0x3F9C];
	_ =	swait.ge [sflag:s4], $0x0  }
0x19: {  	s7 =	sld [smem:$0x3F9D]  }
0x1a: {  	s8 =	sadd.s32 $0xFFFFE003, lr  }
0x1b: {  	s9 =	sadd.s32 $0xFFFFFEF7, lr;
	s5 =	simm.s32 $0xFFFFFFFF;
	p2 =	slt.u32 s8, $0xFFFFF086  }
0x1c: {  	p1 =	slt.u32 s9, $0xF7A;
	s5 =	simm.s32 @!p2 $0x0  }
0x1d: {  	s5 =	simm.s32 @p1 $0x1;
	p0 =	seq.s32 s7, s2  }
0x1e: {  	s7 =	smul.u32 @!p0 $0xF7A, s2;
	p2 =	seq.s32 @!p0 s5, $0x0  }
0x1f: {  	s9 =	smul.u32 $0xF7A, s1;
	s8 =	simm.s32 @!p0 $0x1BF5;
	p2 =	por !p2, p0  }
0x20: {  	[sflag:s8] =	ssyncset.s32 @!p0 $0xFFFFF086;
	s6 =	sadd.s32 @!p0 s3, s7;
	s7 =	simm.s32 @!p0 $0x108  }
0x21: {  	s3 =	sadd.s32 s3, s9;
	s6 =	sadd.s32 @!p0 $0x88, s6;
	s7 =	simm.s32 @p2 $0x1082  }
0x22: {  	[simem:s7], [sflag:s8] =	dma.local @!p0 [hbm:s6], $0xF7A  }
0x23: {  	s9 =	sor.u32 $0xD0000000, s2;
	s6 =	simm.s32 $0x108;
	_ =	swait.ge @!p0 [sflag:s8], $0x0  }
0x24: {  	s3 =	sadd.s32 $0x88, s3;
	s6 =	simm.s32 @!p1 $0x1082;
	[sflag:s4] =	ssyncset.s32 $0xFFFFF086  }
0x25: {  	[simem:s6], [sflag:s4] =	dma.local [hbm:s3], $0xF7A  }
0x26: {  	[smem:$0x3F9D] =	sst s1;
	(tag) =	ssettag s2;
	_ =	strace s9  }
0x27: {  	s1 =	sld [smem:$0x3FAD]  }
0x28: {  	s2 =	sld [smem:$0x3FAE]  }
0x29: {  	s4 =	sld [smem:$0x3FB0]  }
0x2a: {  	p0 =	seq.s32 s5, $0x0;
	s5 =	sld [smem:$0x3FB1]  }
0x2b: {  	s6 =	sld [smem:$0x3FB2]  }
0x2c: {  	s7 =	sld [smem:$0x3FB3]  }
0x2d: {  	s3 =	simm.s32 $0x108;
	s8 =	sld [smem:$0x3FB4]  }
0x2e: {  	s3 =	simm.s32 @!p0 $0x1082;
	s9 =	sld [smem:$0x3FB5]  }
0x2f: {  	lr =	sadd.s32 s0, s3;
	s0 =	sld [smem:$0x3FAC]  }
0x30: {  	s3 =	sld [smem:$0x3FAF]  }
0x31: {  	[smem:$0x3FB8] =	sst s10  }
0x32: {  	s10 =	sld [smem:$0x3FB6];
	_ =	sdelay $0x3  }
0x33: {  	p0 =	seq.s32 s10, $0x1;
	s10 =	sld [smem:$0x3FB8];
	_ =	sdelay $0x3  }
0x34: {  	[smem:$0x3FB8] =	sst s10  }
0x35: {  	s10 =	sld [smem:$0x3FB7];
	_ =	sdelay $0x3  }
0x36: {  	p1 =	seq.s32 s10, $0x1;
	s10 =	sld [smem:$0x3FB8];
	_ =	sdelay $0x3  }
0x37: {  	[smem:$0x3FB8] =	sst s10  }
0x38: {  	s10 =	sld [smem:$0x3FB9]  }
0x39: {  	_ = 	snop;
	(pc) =	sbr.ind lr, $3  }
0x3a: {  	_ = 	snop  }
0x3b: {  	_ = 	snop  }
0x3c: {  	p2 =	seq.s32 s10, $0x1;
	s10 =	sld [smem:$0x3FB8]  }
0x3d: {  	_ =	shalt  }
0x3e: {  	_ =	shalt  }
0x3f: {  	_ =	shalt  }
0x40: {  	_ =	shalt  }
0x41: {  	_ =	shalt  }
0x42: {  	_ =	shalt  }
0x43: {  	_ =	shalt  }
0x44: {  	_ =	shalt  }
0x45: {  	_ =	shalt  }
0x46: {  	_ =	shalt  }
0x47: {  	_ =	shalt  }
0x48: {  	_ =	shalt  }
0x49: {  	_ =	shalt  }
0x4a: {  	_ =	shalt  }
0x4b: {  	_ =	shalt  }
0x4c: {  	_ =	shalt  }
0x4d: {  	_ =	shalt  }
0x4e: {  	_ =	shalt  }
0x4f: {  	_ =	shalt  }
0x50: {  	_ =	shalt  }
0x51: {  	_ =	shalt  }
0x52: {  	_ =	shalt  }
0x53: {  	_ =	shalt  }
0x54: {  	_ =	shalt  }
0x55: {  	_ =	shalt  }
0x56: {  	_ =	shalt  }
0x57: {  	_ =	shalt  }
0x58: {  	_ =	shalt  }
0x59: {  	_ =	shalt  }
0x5a: {  	_ =	shalt  }
0x5b: {  	_ =	shalt  }
0x5c: {  	_ =	shalt  }
0x5d: {  	_ =	shalt  }
0x5e: {  	_ =	shalt  }
0x5f: {  	_ =	shalt  }
0x60: {  	_ =	shalt  }
0x61: {  	_ =	shalt  }
0x62: {  	_ =	shalt  }
0x63: {  	_ =	shalt  }
0x64: {  	_ =	shalt  }
0x65: {  	_ =	shalt  }
0x66: {  	_ =	shalt  }
0x67: {  	_ =	shalt  }
0x68: {  	_ =	shalt  }
0x69: {  	_ =	shalt  }
0x6a: {  	_ =	shalt  }
0x6b: {  	_ =	shalt  }
0x6c: {  	_ =	shalt  }
0x6d: {  	_ =	shalt  }
0x6e: {  	_ =	shalt  }
0x6f: {  	_ =	shalt  }
0x70: {  	_ =	shalt  }
0x71: {  	_ =	shalt  }
0x72: {  	_ =	shalt  }
0x73: {  	_ =	shalt  }
0x74: {  	_ =	shalt  }
0x75: {  	_ =	shalt  }
0x76: {  	_ =	shalt  }
0x77: {  	_ =	shalt  }
0x78: {  	_ =	shalt  }
0x79: {  	_ =	shalt  }
0x7a: {  	_ =	shalt  }
0x7b: {  	_ =	shalt  }
0x7c: {  	_ =	shalt  }
0x7d: {  	_ =	shalt  }
0x7e: {  	_ =	shalt  }
0x7f: {  	_ =	shalt  }
0x80: {  	_ =	shalt  }
0x81: {  	_ =	shalt  }
0x82: {  	_ =	shalt  }
0x83: {  	_ =	shalt  }
0x84: {  	_ =	shalt  }
0x85: {  	_ =	shalt  }
0x86: {  	_ =	shalt  }
0x87: {  	_ =	shalt  }
.Lfunc_end0:
.L_simem_size_0:
called_computation_lowered:
.L_overlay_start_0:
0x88: {  	s2 =	sld [smem:$0x3FD9]  }
0x89: {  	s3 =	sld [smem:$0x3FFE];
	_ =	sdelay $0x1  }
0x8a: {  	s1 =	srdreg.scid  }
0x8b: {  	s0 =	sand.u32 $0x1, s1  }
0x8c: {  	s18 =	sshll.u32 s0, $0xA;
	s2 =	sadd.s32 s3, s2  }
0x8d: {  	s2 =	sadd.s32 s2, s18  }
0x8e: {  	[smem:$0x3FC4] =	sst s2  }
0x8f: {  	_ = 	snop  }
0x90: {  	s2 =	sld [smem:$0x3FC9]  }
0x91: {  	s19 =	sld [smem:$0x3FC8]  }
0x92: {  	s4 =	sld [smem:$0x3FC7]  }
0x93: {  	s5 =	sld [smem:$0x3FC6]  }
0x94: {  	s6 =	sld [smem:$0x3FD0];
	(tm) =	ssettm $0x1  }
0x95: {  	s7 =	sld [smem:$0x3FFB];
	_ =	sdelay $0x3  }
0x96: {  	_ =	strace s7  }
0x97: {  	s7 =	sld [smem:$0x3FFC];
	_ =	sdelay $0x3  }
0x98: {  	_ =	strace s7  }
0x99: {  	s7 =	sld [smem:$0x3FFD];
	_ =	sdelay $0x3  }
0x9a: {  	_ =	strace s7  }
0x9b: {  	_ =	strace $0x8FFFFFFF  }
0x9c: {  	s20 =	sld [smem:$0x3FDB];
	_ =	sdelay $0x1  }
0x9d: {  	s8 =	simm.s32 $_scs_section_size  }
0x9e: {  	s9 =	simm.s32 $_size__tile_overlayer_lowered;
	s10 =	simm.s32 $_tile_overlayer_lowered  }
0x9f: {  	s23 =	simm.s32 $0x1BFF;
	s22 =	sshll.u32 s10, $0x1;
	s7 =	sadd.s32 s8, s20  }
0xa0: {  	s11 =	simm.s32 $0x0;
	s21 =	sshll.u32 s9, $0x1;
	s9 =	sadd.s32 s22, s7  }
0xa1: {  	[timem:s11], [sflag:s23] =	dma.local [hbm:s9], s21  }
0xa2: {  	_ =	swait.ge [sflag:s23], s21  }
0xa3: {  	s8 =	ssub.s32 $0x0, s21;
	[sflag:s23] =	ssyncset.done $0x0  }
0xa4: {  	[sflag:s23] =	ssyncadd.s32 s8;
	_ =	sdelay $0x1  }
0xa5: {  	s24 =	simm.s32 $0x1B8B  }
0xa6: {  	_ =	swait.ge [sflag:s24], $0x1  }
0xa7: {  	[sflag:s24] =	ssyncset.done $0x0  }
0xa8: {  	s25 =	simm.s32 $0x1B8E;
	[sflag:s24] =	ssyncadd.s32 $0xFFFFFFFF  }
0xa9: {  	s26 =	simm.s32 $execute0_lowered;
	[smem:$0x3FD2] =	sst s25  }
0xaa: {  	s8 =	sshll.u32 s26, $0x1;
	_ =	strace $0x80000046;
	[dreg:$0x1] =	wrdreg $0xFFFFFFFF  }
0xab: {  	s28 =	simm.s32 $_size_execute0_lowered;
	s7 =	sadd.s32 s7, s8;
	[dreg:$0x0] =	wrdreg $0x0  }
0xac: {  	s8 =	sshll.u32 s28, $0x1;
	[dreg:$0x2] =	wrdreg s7  }
0xad: {  	[dreg:$0x3] =	wrdreg s8  }
0xae: {  	[dreg:$0x4] =	wrdreg $0xC0  }
0xaf: {  	_ =	task [dreg:s11], $0x5FFFF  }
0xb0: {  	[dreg:$0x1] =	wrdreg $0xFFFFFFFF  }
0xb1: {  	[dreg:$0x0] =	wrdreg $0x60  }
0xb2: {  	[dreg:$0x2] =	wrdreg s2  }
0xb3: {  	[dreg:$0x3] =	wrdreg s19  }
0xb4: {  	[dreg:$0x4] =	wrdreg s4  }
0xb5: {  	[dreg:$0x5] =	wrdreg s5  }
0xb6: {  	[dreg:$0x6] =	wrdreg s6  }
0xb7: {  	[dreg:$0x7] =	wrdreg $0x9  }
0xb8: {  	_ =	task.clear_ibuf [dreg:s11], $0x8FFFF;
	_ =	strace $0x90000046  }
0xb9: {  	s29 =	simm.s32 $0x9;
	_ =	strace $0x80000048  }
0xba: {  	_ =	swait.ge [sflag:s29], $0x1  }
0xbb: {  	[sflag:s29] =	ssyncadd.s32 $0xFFFFFFFF  }
0xbc: {  	_ =	strace $0x90000048  }
0xbd: {  	_ =	sfence  }
0xbe: {  	s30 =	sld [smem:$0x0];
	_ =	sdelay $0x2  }
0xbf: {  	s31 =	sshll.u32 s1, $0xD;
	s1 =	sshrl.u32 s1, $0x2  }
0xc0: {  	s3 =	sand.u32 $0x4000, s31;
	s1 =	sadd.s32 s1, s30  }
0xc1: {  	s0 =	sor.u32 s3, s0;
	s1 =	sshll.u32 s1, $0x11  }
0xc2: {  	s0 =	sor.u32 s1, s0  }
0xc3: {  	s0 =	sadd.s32 $0x8F2B, s0  }
0xc4: {  	[sflag:s0] =	ssyncadd.remote.s32 $0x1  }
0xc5: {  	_ =	sfence.sel $0xFFFF  }
0xc6: {  	[dreg:$0x0] =	wrdreg $0xFFFFFFFF;
	(pc) =	sbr.abs _section_cstart, $3  }
0xc7: {  	[dreg:$0x1] =	wrdreg $0xFFFFFFFF  }
0xc8: {  	_ =	task.clear_ibuf [dreg:s11], $0x2FFFF;
	_ =	strace $0x9FFFFFFF  }
0xc9: {  	(tm) =	ssettm $0x7FFFFFFF  }
tec
execute0_lowered:
.L_overlay_start_1:
0x0: {  	(tag) =	ssettag $0x1  }
0x1: {  	s0 =	rddreg [dreg:$0x0]  }
0x2: {  	s3 =	rddreg [dreg:$0x1]  }
0x3: {  	s1 =	rddreg [dreg:$0x2]  }
0x4: {  	s2 =	rddreg [dreg:$0x3]  }
0x5: {  	s9 =	rddreg [dreg:$0x4];
	s5 =	srdreg.scid  }
0x6: {  	s4 =	simm.s32 $0x0;
	s7 =	stileid.u32;
	s12 =	simm.s32 $0x1  }
0x7: {  	s13 =	simm.s32 $0x2;
	s14 =	simm.s32 $0x40;
	s15 =	simm.s32 $0x400  }
0x8: {  	s16 =	simm.s32 $0x4400;
	s17 =	simm.s32 $0x5;
	s18 =	simm.s32 $0x240  }
0x9: {  	v0 =	vlaneseq.u32;
	s19 =	simm.s32 $0x2400;
	s20 =	simm.s32 $0x6400;
	s21 =	simm.s32 $0x8400  }
0xa: {  	s22 =	simm.s32 $0x3;
	s23 =	simm.s32 $0x4;
	s24 =	simm.s32 $0x8C00;
	v0 =	vmul.u32 $0x80, v0  }
0xb: {  	s25 =	simm.s32 $0x0;
	s5 =	sand.u32 $0x1, s5;
	s7 =	sshll.u32 s7, $0x7  }
0xc: {  	[smem:$0x7FF] =	sst s4;
	s6 =	ssub.s32 $0x2, s5;
	s5 =	sshll.u32 s5, $0x6;
	v1 =	vor.u32 $0x1, v0;
	v2 =	vor.u32 $0x2, v0;
	v3 =	vor.u32 $0x3, v0  }
0xd: {  	_ =	strace $0x80000047;
	s8 =	sshrl.u32 s6, $0x1;
	s10 =	sor.u32 s5, s7;
	v4 =	vor.u32 $0x4, v0;
	v5 =	vor.u32 $0x5, v0;
	v6 =	vor.u32 $0x6, v0  }
0xe: {  	v7 =	vor.u32 $0x7, v0;
	v8 =	vor.u32 $0x8, v0;
	v9 =	vor.u32 $0x9, v0;
	s11 =	ssub.s32 s6, s8;
	s31 =	sor.u32 $0x8, s10;
	s5 =	sadd.s32 s0, s10  }
0xf: {  	v10 =	vor.u32 $0xA, v0;
	v11 =	vor.u32 $0xB, v0;
	v12 =	vor.u32 $0xC, v0;
	s6 =	sadd.s32 s3, s10;
	s9 =	sadd.s32 s9, s10;
	s7 =	sadd.s32 s0, s31  }
0x10: {  	v13 =	vor.u32 $0xD, v0;
	v14 =	vor.u32 $0xE, v0;
	v15 =	vor.u32 $0xF, v0;
	s8 =	sadd.s32 s3, s31;
	s10 =	smax.u32 s11, $0x1;
	s11 =	simm.s32 $0x200  }
.LBB2_1:
0x11: {  	[tilespmem:s4], [sflag:$0x1] =	stream.linear.gather [hbm4b:s5+s4], $0x40, $0x38;
	[tilespmem:$0x8E00] =	vst v63  }
0x12: {  	_ = 	snop  }
0x13: {  	[tilespmem:s11], [sflag:$0x2] =	stream.linear.gather [hbm4b:s6+s4], $0x40, $0x38;
	[tilespmem:$0x8E00] =	vst v63  }
0x14: {  	_ =	swait.ge [sflag:s12], $0x40  }
0x15: {  	[sflag:s12] =	ssyncset.done $0x0  }
0x16: {  	[sflag:s12] =	ssyncadd.s32 $0xFFFFFFC0  }
0x17: {  	_ =	swait.ge [sflag:s13], $0x40  }
0x18: {  	[sflag:s13] =	ssyncset.done $0x0  }
0x19: {  	[sflag:s13] =	ssyncadd.s32 $0xFFFFFFC0  }
0x1a: {  	[tilespmem:s15], [sflag:$0x1] =	stream.indirect.gather [hbm4b:s1+s14], $0x80, s4, s14, $0xb8;
	[tilespmem:$0x8E00] =	vst v63  }
0x1b: {  	_ = 	snop  }
0x1c: {  	[tilespmem:s16], [sflag:$0x2] =	stream.indirect.gather [hbm4b:s2+s14], $0x80, s11, s14, $0xb8;
	[tilespmem:$0x8E00] =	vst v63  }
0x1d: {  	_ = 	snop  }
0x1e: {  	[tilespmem:s14], [sflag:$0x5] =	stream.linear.gather [hbm4b:s7+s4], $0x1C0, $0x38;
	[tilespmem:$0x8E00] =	vst v63  }
0x1f: {  	_ =	swait.ge [sflag:s17], $0x1C0  }
0x20: {  	[sflag:s17] =	ssyncset.done $0x0  }
0x21: {  	[sflag:s17] =	ssyncadd.s32 $0xFFFFFE40  }
0x22: {  	[tilespmem:s18], [sflag:$0x5] =	stream.linear.gather [hbm4b:s8+s4], $0x1C0, $0x38;
	[tilespmem:$0x8E00] =	vst v63  }
0x23: {  	_ =	swait.ge [sflag:s17], $0x1C0  }
0x24: {  	[sflag:s17] =	ssyncset.done $0x0  }
0x25: {  	s26 =	simm.s32 $0x0;
	[sflag:s17] =	ssyncadd.s32 $0xFFFFFE40  }
.LBB2_2:
0x26: {  	s29 =	sshll.u32 s26, $0x7  }
0x27: {  	s28 =	sor.u32 $0x40, s29  }
0x28: {  	[tilespmem:s19], [sflag:$0x3] =	stream.indirect.gather [hbm4b:s1+s14], $0x80, s28, s14, $0xb8;
	[tilespmem:$0x8E00] =	vst v63  }
0x29: {  	s0 =	sadd.s32 $0x240, s29  }
0x2a: {  	[tilespmem:s20], [sflag:$0x4] =	stream.indirect.gather [hbm4b:s2+s14], $0x80, s0, s14, $0xb8;
	[tilespmem:$0x8E00] =	vst v63  }
0x2b: {  	_ =	swait.ge [sflag:s12], $0x2000  }
0x2c: {  	[sflag:s12] =	ssyncset.done $0x0  }
0x2d: {  	[sflag:s12] =	ssyncadd.s32 $0xFFFFE000  }
0x2e: {  	_ =	swait.ge [sflag:s13], $0x2000  }
0x2f: {  	s31 =	sadd.s32 $0x8C00, s29;
	[sflag:s13] =	ssyncset.done $0x0  }
0x30: {  	s30 =	simm.s32 $0x0;
	v16 =	vmov s31;
	[sflag:s13] =	ssyncadd.s32 $0xFFFFE000  }
.LBB2_3:
0x31: {  	s31 =	sshll.u32 s30, $0xB;
	p0 =	por $0x1, $0x1;
	s0 =	simm.s32 $0x0  }
.LBB2_4:
0x32: {  	s3 =	sshll.u32 s0, $0xA  }
0x33: {  	s0 =	sor.u32 s31, s3  }
0x34: {  	v17 =	vld [tilespmem:s0+$0x400]  }
0x35: {  	v18 =	vld [tilespmem:s0+$0x4400]  }
0x36: {  	v19 =	vld [tilespmem:s0+$0x410]  }
0x37: {  	v20 =	vld [tilespmem:s0+$0x4410]  }
0x38: {  	v21 =	vld [tilespmem:s0+$0x420]  }
0x39: {  	v22 =	vld [tilespmem:s0+$0x4420]  }
0x3a: {  	v23 =	vld [tilespmem:s0+$0x430]  }
0x3b: {  	v24 =	vld [tilespmem:s0+$0x4430]  }
0x3c: {  	v25 =	vld [tilespmem:s0+$0x440]  }
0x3d: {  	v26 =	vld [tilespmem:s0+$0x4440]  }
0x3e: {  	v27 =	vld [tilespmem:s0+$0x450]  }
0x3f: {  	v28 =	vld [tilespmem:s0+$0x4450]  }
0x40: {  	v29 =	vld [tilespmem:s0+$0x460]  }
0x41: {  	v30 =	vld [tilespmem:s0+$0x4460]  }
0x42: {  	v31 =	vld [tilespmem:s0+$0x470]  }
0x43: {  	v32 =	vld [tilespmem:s0+$0x4470];
	_ =	sdelay $0x1  }
0x44: {  	v17 =	vmul.f32 v18, v17;
	v18 =	vmul.f32 v20, v19  }
0x45: {  	v19 =	vmul.f32 v22, v21;
	v37 =	vmul.f32 v24, v23  }
0x46: {  	v38 =	vmul.f32 v26, v25;
	v39 =	vmul.f32 v28, v27  }
0x47: {  	v40 =	vmul.f32 v30, v29;
	v41 =	vmul.f32 v32, v31  }
0x48: {  	v17 =	vadd.f32 v18, v17;
	v18 =	vadd.f32 v37, v19  }
0x49: {  	v19 =	vadd.f32 v39, v38;
	v42 =	vadd.f32 v41, v40;
	_ =	sdelay $0x1  }
0x4a: {  	v17 =	vadd.f32 v18, v17;
	v18 =	vadd.f32 v42, v19;
	_ =	sdelay $0x1  }
0x4b: {  	v17 =	vadd.f32 v18, v17  }
0x4c: {  	s3 =	sand.u32 $0x3FFFFC00, s3  }
0x4d: {  	[tilespmem:s3+$0x8400] =	vst v17  }
0x4e: {  	v17 =	vld [tilespmem:s0+$0x480]  }
0x4f: {  	v18 =	vld [tilespmem:s0+$0x4480]  }
0x50: {  	v19 =	vld [tilespmem:s0+$0x490]  }
0x51: {  	v43 =	vld [tilespmem:s0+$0x4490]  }
0x52: {  	v44 =	vld [tilespmem:s0+$0x4A0]  }
0x53: {  	v45 =	vld [tilespmem:s0+$0x44A0]  }
0x54: {  	v46 =	vld [tilespmem:s0+$0x4B0]  }
0x55: {  	v47 =	vld [tilespmem:s0+$0x44B0]  }
0x56: {  	v48 =	vld [tilespmem:s0+$0x4C0]  }
0x57: {  	v49 =	vld [tilespmem:s0+$0x44C0]  }
0x58: {  	v50 =	vld [tilespmem:s0+$0x4D0]  }
0x59: {  	v51 =	vld [tilespmem:s0+$0x44D0]  }
0x5a: {  	v52 =	vld [tilespmem:s0+$0x4E0]  }
0x5b: {  	v53 =	vld [tilespmem:s0+$0x44E0]  }
0x5c: {  	v54 =	vld [tilespmem:s0+$0x4F0]  }
0x5d: {  	v55 =	vld [tilespmem:s0+$0x44F0];
	_ =	sdelay $0x1  }
0x5e: {  	v17 =	vmul.f32 v18, v17;
	v18 =	vmul.f32 v43, v19  }
0x5f: {  	v19 =	vmul.f32 v45, v44;
	v56 =	vmul.f32 v47, v46  }
0x60: {  	v57 =	vmul.f32 v49, v48;
	v58 =	vmul.f32 v51, v50  }
0x61: {  	v59 =	vmul.f32 v53, v52;
	v60 =	vmul.f32 v55, v54  }
0x62: {  	v17 =	vadd.f32 v18, v17;
	v18 =	vadd.f32 v56, v19  }
0x63: {  	v19 =	vadd.f32 v58, v57;
	v61 =	vadd.f32 v60, v59;
	_ =	sdelay $0x1  }
0x64: {  	v17 =	vadd.f32 v18, v17;
	v18 =	vadd.f32 v61, v19;
	_ =	sdelay $0x1  }
0x65: {  	v17 =	vadd.f32 v18, v17;
	_ =	sdelay $0x1  }
0x66: {  	[tilespmem:s3+$0x8480] =	vst v17  }
0x67: {  	v17 =	vld [tilespmem:s0+$0x500]  }
0x68: {  	v18 =	vld [tilespmem:s0+$0x4500]  }
0x69: {  	v19 =	vld [tilespmem:s0+$0x510]  }
0x6a: {  	v62 =	vld [tilespmem:s0+$0x4510]  }
0x6b: {  	v63 =	vld [tilespmem:s0+$0x520]  }
0x6c: {  	v36 =	vld [tilespmem:s0+$0x4520]  }
0x6d: {  	v37 =	vld [tilespmem:s0+$0x530]  }
0x6e: {  	v38 =	vld [tilespmem:s0+$0x4530]  }
0x6f: {  	v39 =	vld [tilespmem:s0+$0x540]  }
0x70: {  	v40 =	vld [tilespmem:s0+$0x4540]  }
0x71: {  	v41 =	vld [tilespmem:s0+$0x550]  }
0x72: {  	v42 =	vld [tilespmem:s0+$0x4550]  }
0x73: {  	v43 =	vld [tilespmem:s0+$0x560]  }
0x74: {  	v44 =	vld [tilespmem:s0+$0x4560]  }
0x75: {  	v45 =	vld [tilespmem:s0+$0x570]  }
0x76: {  	v46 =	vld [tilespmem:s0+$0x4570];
	_ =	sdelay $0x1  }
0x77: {  	v17 =	vmul.f32 v18, v17;
	v18 =	vmul.f32 v62, v19  }
0x78: {  	v19 =	vmul.f32 v36, v63;
	v47 =	vmul.f32 v38, v37  }
0x79: {  	v48 =	vmul.f32 v40, v39;
	v49 =	vmul.f32 v42, v41  }
0x7a: {  	v50 =	vmul.f32 v44, v43;
	v51 =	vmul.f32 v46, v45  }
0x7b: {  	v17 =	vadd.f32 v18, v17;
	v18 =	vadd.f32 v47, v19  }
0x7c: {  	v19 =	vadd.f32 v49, v48;
	v52 =	vadd.f32 v51, v50;
	_ =	sdelay $0x1  }
0x7d: {  	v17 =	vadd.f32 v18, v17;
	v18 =	vadd.f32 v52, v19;
	_ =	sdelay $0x1  }
0x7e: {  	v17 =	vadd.f32 v18, v17;
	_ =	sdelay $0x1  }
0x7f: {  	[tilespmem:s3+$0x8500] =	vst v17  }
0x80: {  	v17 =	vld [tilespmem:s0+$0x580]  }
0x81: {  	v18 =	vld [tilespmem:s0+$0x4580]  }
0x82: {  	v19 =	vld [tilespmem:s0+$0x590]  }
0x83: {  	v53 =	vld [tilespmem:s0+$0x4590]  }
0x84: {  	v54 =	vld [tilespmem:s0+$0x5A0]  }
0x85: {  	v55 =	vld [tilespmem:s0+$0x45A0]  }
0x86: {  	v56 =	vld [tilespmem:s0+$0x5B0]  }
0x87: {  	v57 =	vld [tilespmem:s0+$0x45B0]  }
0x88: {  	v58 =	vld [tilespmem:s0+$0x5C0]  }
0x89: {  	v59 =	vld [tilespmem:s0+$0x45C0]  }
0x8a: {  	v60 =	vld [tilespmem:s0+$0x5D0]  }
0x8b: {  	v61 =	vld [tilespmem:s0+$0x45D0]  }
0x8c: {  	v62 =	vld [tilespmem:s0+$0x5E0]  }
0x8d: {  	v63 =	vld [tilespmem:s0+$0x45E0]  }
0x8e: {  	v36 =	vld [tilespmem:s0+$0x5F0]  }
0x8f: {  	v37 =	vld [tilespmem:s0+$0x45F0];
	_ =	sdelay $0x1  }
0x90: {  	v17 =	vmul.f32 v18, v17;
	v18 =	vmul.f32 v53, v19  }
0x91: {  	v19 =	vmul.f32 v55, v54;
	v38 =	vmul.f32 v57, v56  }
0x92: {  	v39 =	vmul.f32 v59, v58;
	v40 =	vmul.f32 v61, v60  }
0x93: {  	v41 =	vmul.f32 v63, v62;
	v42 =	vmul.f32 v37, v36  }
0x94: {  	v17 =	vadd.f32 v18, v17;
	v18 =	vadd.f32 v38, v19  }
0x95: {  	v19 =	vadd.f32 v40, v39;
	v43 =	vadd.f32 v42, v41;
	_ =	sdelay $0x1  }
0x96: {  	v17 =	vadd.f32 v18, v17;
	v18 =	vadd.f32 v43, v19;
	_ =	sdelay $0x1  }
0x97: {  	v17 =	vadd.f32 v18, v17;
	_ =	sdelay $0x1  }
0x98: {  	[tilespmem:s3+$0x8580] =	vst v17  }
0x99: {  	v17 =	vld [tilespmem:s0+$0x600]  }
0x9a: {  	v18 =	vld [tilespmem:s0+$0x4600]  }
0x9b: {  	v19 =	vld [tilespmem:s0+$0x610]  }
0x9c: {  	v44 =	vld [tilespmem:s0+$0x4610]  }
0x9d: {  	v45 =	vld [tilespmem:s0+$0x620]  }
0x9e: {  	v46 =	vld [tilespmem:s0+$0x4620]  }
0x9f: {  	v47 =	vld [tilespmem:s0+$0x630]  }
0xa0: {  	v48 =	vld [tilespmem:s0+$0x4630]  }
0xa1: {  	v49 =	vld [tilespmem:s0+$0x640]  }
0xa2: {  	v50 =	vld [tilespmem:s0+$0x4640]  }
0xa3: {  	v51 =	vld [tilespmem:s0+$0x650]  }
0xa4: {  	v52 =	vld [tilespmem:s0+$0x4650]  }
0xa5: {  	v53 =	vld [tilespmem:s0+$0x660]  }
0xa6: {  	v54 =	vld [tilespmem:s0+$0x4660]  }
0xa7: {  	v55 =	vld [tilespmem:s0+$0x670]  }
0xa8: {  	v56 =	vld [tilespmem:s0+$0x4670];
	_ =	sdelay $0x1  }
0xa9: {  	v17 =	vmul.f32 v18, v17;
	v18 =	vmul.f32 v44, v19  }
0xaa: {  	v19 =	vmul.f32 v46, v45;
	v57 =	vmul.f32 v48, v47  }
0xab: {  	v58 =	vmul.f32 v50, v49;
	v59 =	vmul.f32 v52, v51  }
0xac: {  	v60 =	vmul.f32 v54, v53;
	v61 =	vmul.f32 v56, v55  }
0xad: {  	v17 =	vadd.f32 v18, v17;
	v18 =	vadd.f32 v57, v19  }
0xae: {  	v19 =	vadd.f32 v59, v58;
	v62 =	vadd.f32 v61, v60;
	_ =	sdelay $0x1  }
0xaf: {  	v17 =	vadd.f32 v18, v17;
	v18 =	vadd.f32 v62, v19;
	_ =	sdelay $0x1  }
0xb0: {  	v17 =	vadd.f32 v18, v17;
	_ =	sdelay $0x1  }
0xb1: {  	[tilespmem:s3+$0x8600] =	vst v17  }
0xb2: {  	v17 =	vld [tilespmem:s0+$0x680]  }
0xb3: {  	v18 =	vld [tilespmem:s0+$0x4680]  }
0xb4: {  	v19 =	vld [tilespmem:s0+$0x690]  }
0xb5: {  	v63 =	vld [tilespmem:s0+$0x4690]  }
0xb6: {  	v36 =	vld [tilespmem:s0+$0x6A0]  }
0xb7: {  	v37 =	vld [tilespmem:s0+$0x46A0]  }
0xb8: {  	v38 =	vld [tilespmem:s0+$0x6B0]  }
0xb9: {  	v39 =	vld [tilespmem:s0+$0x46B0]  }
0xba: {  	v40 =	vld [tilespmem:s0+$0x6C0]  }
0xbb: {  	v41 =	vld [tilespmem:s0+$0x46C0]  }
0xbc: {  	v42 =	vld [tilespmem:s0+$0x6D0]  }
0xbd: {  	v43 =	vld [tilespmem:s0+$0x46D0]  }
0xbe: {  	v44 =	vld [tilespmem:s0+$0x6E0]  }
0xbf: {  	v45 =	vld [tilespmem:s0+$0x46E0]  }
0xc0: {  	v46 =	vld [tilespmem:s0+$0x6F0]  }
0xc1: {  	v47 =	vld [tilespmem:s0+$0x46F0];
	_ =	sdelay $0x1  }
0xc2: {  	v17 =	vmul.f32 v18, v17;
	v18 =	vmul.f32 v63, v19  }
0xc3: {  	v19 =	vmul.f32 v37, v36;
	v48 =	vmul.f32 v39, v38  }
0xc4: {  	v49 =	vmul.f32 v41, v40;
	v50 =	vmul.f32 v43, v42  }
0xc5: {  	v51 =	vmul.f32 v45, v44;
	v52 =	vmul.f32 v47, v46  }
0xc6: {  	v17 =	vadd.f32 v18, v17;
	v18 =	vadd.f32 v48, v19  }
0xc7: {  	v19 =	vadd.f32 v50, v49;
	v53 =	vadd.f32 v52, v51;
	_ =	sdelay $0x1  }
0xc8: {  	v17 =	vadd.f32 v18, v17;
	v18 =	vadd.f32 v53, v19;
	_ =	sdelay $0x1  }
0xc9: {  	v17 =	vadd.f32 v18, v17;
	_ =	sdelay $0x1  }
0xca: {  	[tilespmem:s3+$0x8680] =	vst v17  }
0xcb: {  	v17 =	vld [tilespmem:s0+$0x700]  }
0xcc: {  	v18 =	vld [tilespmem:s0+$0x4700]  }
0xcd: {  	v19 =	vld [tilespmem:s0+$0x710]  }
0xce: {  	v54 =	vld [tilespmem:s0+$0x4710]  }
0xcf: {  	v55 =	vld [tilespmem:s0+$0x720]  }
0xd0: {  	v56 =	vld [tilespmem:s0+$0x4720]  }
0xd1: {  	v57 =	vld [tilespmem:s0+$0x730]  }
0xd2: {  	v58 =	vld [tilespmem:s0+$0x4730]  }
0xd3: {  	v59 =	vld [tilespmem:s0+$0x740]  }
0xd4: {  	v60 =	vld [tilespmem:s0+$0x4740]  }
0xd5: {  	v61 =	vld [tilespmem:s0+$0x750]  }
0xd6: {  	v62 =	vld [tilespmem:s0+$0x4750]  }
0xd7: {  	v63 =	vld [tilespmem:s0+$0x760]  }
0xd8: {  	v36 =	vld [tilespmem:s0+$0x4760]  }
0xd9: {  	v37 =	vld [tilespmem:s0+$0x770]  }
0xda: {  	v38 =	vld [tilespmem:s0+$0x4770];
	_ =	sdelay $0x1  }
0xdb: {  	v17 =	vmul.f32 v18, v17;
	v18 =	vmul.f32 v54, v19  }
0xdc: {  	v19 =	vmul.f32 v56, v55;
	v39 =	vmul.f32 v58, v57  }
0xdd: {  	v40 =	vmul.f32 v60, v59;
	v41 =	vmul.f32 v62, v61  }
0xde: {  	v42 =	vmul.f32 v36, v63;
	v43 =	vmul.f32 v38, v37  }
0xdf: {  	v17 =	vadd.f32 v18, v17;
	v18 =	vadd.f32 v39, v19  }
0xe0: {  	v19 =	vadd.f32 v41, v40;
	v44 =	vadd.f32 v43, v42;
	_ =	sdelay $0x1  }
0xe1: {  	v17 =	vadd.f32 v18, v17;
	v18 =	vadd.f32 v44, v19;
	_ =	sdelay $0x1  }
0xe2: {  	v17 =	vadd.f32 v18, v17;
	_ =	sdelay $0x1  }
0xe3: {  	[tilespmem:s3+$0x8700] =	vst v17  }
0xe4: {  	v17 =	vld [tilespmem:s0+$0x780]  }
0xe5: {  	v18 =	vld [tilespmem:s0+$0x4780]  }
0xe6: {  	v19 =	vld [tilespmem:s0+$0x790]  }
0xe7: {  	v45 =	vld [tilespmem:s0+$0x4790]  }
0xe8: {  	v46 =	vld [tilespmem:s0+$0x7A0]  }
0xe9: {  	v47 =	vld [tilespmem:s0+$0x47A0]  }
0xea: {  	v48 =	vld [tilespmem:s0+$0x7B0]  }
0xeb: {  	v49 =	vld [tilespmem:s0+$0x47B0]  }
0xec: {  	v50 =	vld [tilespmem:s0+$0x7C0]  }
0xed: {  	v51 =	vld [tilespmem:s0+$0x47C0]  }
0xee: {  	v52 =	vld [tilespmem:s0+$0x7D0]  }
0xef: {  	v53 =	vld [tilespmem:s0+$0x47D0]  }
0xf0: {  	v54 =	vld [tilespmem:s0+$0x7E0]  }
0xf1: {  	v55 =	vld [tilespmem:s0+$0x47E0]  }
0xf2: {  	v56 =	vld [tilespmem:s0+$0x7F0]  }
0xf3: {  	v57 =	vld [tilespmem:s0+$0x47F0];
	_ =	sdelay $0x1  }
0xf4: {  	v17 =	vmul.f32 v18, v17;
	v18 =	vmul.f32 v45, v19  }
0xf5: {  	v19 =	vmul.f32 v47, v46;
	v58 =	vmul.f32 v49, v48  }
0xf6: {  	v59 =	vmul.f32 v51, v50;
	v60 =	vmul.f32 v53, v52  }
0xf7: {  	v61 =	vmul.f32 v55, v54;
	v62 =	vmul.f32 v57, v56  }
0xf8: {  	v17 =	vadd.f32 v18, v17;
	v18 =	vadd.f32 v58, v19  }
0xf9: {  	v19 =	vadd.f32 v60, v59;
	v63 =	vadd.f32 v62, v61  }
0xfa: {  	p1 =	por p0, p0  }
.Ltmp0:
0xfb: {  	v17 =	vadd.f32 v18, v17;
	v18 =	vadd.f32 v63, v19;
	(pc) =	sbr.rel @p1 .LBB2_4-.Ltmp0, $3  }
0xfc: {  	_ = 	snop  }
0xfd: {  	v17 =	vadd.f32 v18, v17;
	_ =	sdelay $0x1  }
0xfe: {  	p0 =	por $0x0, $0x0;
	s0 =	simm.s32 $0x1;
	[tilespmem:s3+$0x8780] =	vst v17  }
0xff: {  	_ =	sdelay $0x3  }
0x100: {  	v17 =	vld.idx.msk [tilespmem:v0+s21+$0x0], $0xffff  }
0x101: {  	v18 =	vld.idx.msk [tilespmem:v1+s21+$0x0], $0xffff  }
0x102: {  	v19 =	vld.idx.msk [tilespmem:v2+s21+$0x0], $0xffff  }
0x103: {  	v20 =	vld.idx.msk [tilespmem:v3+s21+$0x0], $0xffff  }
0x104: {  	v21 =	vld.idx.msk [tilespmem:v4+s21+$0x0], $0xffff  }
0x105: {  	v22 =	vld.idx.msk [tilespmem:v5+s21+$0x0], $0xffff  }
0x106: {  	v23 =	vld.idx.msk [tilespmem:v6+s21+$0x0], $0xffff  }
0x107: {  	v24 =	vld.idx.msk [tilespmem:v7+s21+$0x0], $0xffff  }
0x108: {  	v25 =	vld.idx.msk [tilespmem:v8+s21+$0x0], $0xffff  }
0x109: {  	v26 =	vld.idx.msk [tilespmem:v9+s21+$0x0], $0xffff  }
0x10a: {  	v27 =	vld.idx.msk [tilespmem:v10+s21+$0x0], $0xffff  }
0x10b: {  	v28 =	vld.idx.msk [tilespmem:v11+s21+$0x0], $0xffff  }
0x10c: {  	v29 =	vld.idx.msk [tilespmem:v12+s21+$0x0], $0xffff  }
0x10d: {  	v30 =	vld.idx.msk [tilespmem:v13+s21+$0x0], $0xffff  }
0x10e: {  	v31 =	vld.idx.msk [tilespmem:v14+s21+$0x0], $0xffff  }
0x10f: {  	v32 =	vld.idx.msk [tilespmem:v15+s21+$0x0], $0xffff;
	_ =	sdelay $0x1  }
0x110: {  	v17 =	vadd.f32 v18, v17;
	v18 =	vadd.f32 v20, v19  }
0x111: {  	v19 =	vadd.f32 v22, v21;
	v58 =	vadd.f32 v24, v23  }
0x112: {  	v59 =	vadd.f32 v26, v25;
	v60 =	vadd.f32 v28, v27  }
0x113: {  	v61 =	vadd.f32 v30, v29;
	v62 =	vadd.f32 v32, v31  }
0x114: {  	v17 =	vadd.f32 v18, v17;
	v18 =	vadd.f32 v58, v19  }
0x115: {  	v19 =	vadd.f32 v60, v59;
	v63 =	vadd.f32 v62, v61;
	_ =	sdelay $0x1  }
0x116: {  	v17 =	vadd.f32 v18, v17;
	v18 =	vadd.f32 v63, v19;
	_ =	sdelay $0x1  }
0x117: {  	v17 =	vadd.f32 v18, v17;
	_ =	sdelay $0x1  }
0x118: {  	v17 =	vsub.f32 $0.0e+00, v17;
	_ =	sdelay $0x1  }
0x119: {  	v17 =	vmul.f32 $1.442695020e+00, v17;
	_ =	sdelay $0x1  }
0x11a: {  	(erf) = vpow2.f32 v17;
	_ =	sdelay $0x8  }
0x11b: {  	v17 =	vpop (erf)  }
0x11c: {  	v17 =	vadd.f32 $1.000000000e+00, v17;
	_ =	sdelay $0x1  }
0x11d: {  	(erf) = vrcp.f32 v17;
	_ =	sdelay $0x5  }
0x11e: {  	s0 =	sshll.u32 s30, $0x4;
	s30 =	sadd.s32 $0x1, s30  }
0x11f: {  	p0 =	sne.s32 s30, $0x4  }
.Ltmp1:
0x120: {  	_ = 	snop;
	(pc) =	sbr.rel @p0 .LBB2_3-.Ltmp1, $4  }
0x121: {  	v17 =	vpop (erf)  }
0x122: {  	v17 =	vmul.f32 $1.000000000e+01, v17  }
0x123: {  	s0 =	sand.u32 $0x3FFFFFF0, s0  }
0x124: {  	[tilespmem:v16+s0+$0x0 ss:$0x1] =	vst.idx.msk $0xffff, v17  }
0x125: {  	p0 =	seq.s32 s26, $0x3  }
0x126: {  	s0 =	sadd.s32 @!p0 $0x80, s29;
	s3 =	simm.s32 @!p0 $0x40;
	s30 =	simm.s32 @!p0 $0x400  }
0x127: {  	[tilespmem:s30], [sflag:$0x1] =	stream.indirect.gather @!p0 [hbm4b:s1+s3], $0x80, s0, s3, $0xb8;
	[tilespmem:$0x8E00] =	vst v63  }
0x128: {  	s0 =	sadd.s32 @!p0 $0x280, s29;
	s29 =	simm.s32 @!p0 $0x4400  }
0x129: {  	[tilespmem:s29], [sflag:$0x2] =	stream.indirect.gather @!p0 [hbm4b:s2+s3], $0x80, s0, s3, $0xb8;
	[tilespmem:$0x8E00] =	vst v63  }
0x12a: {  	_ =	swait.ge [sflag:s22], $0x2000  }
0x12b: {  	[sflag:s22] =	ssyncset.done $0x0  }
0x12c: {  	[sflag:s22] =	ssyncadd.s32 $0xFFFFE000  }
0x12d: {  	_ =	swait.ge [sflag:s23], $0x2000  }
0x12e: {  	s31 =	sadd.s32 $0x8C00, s28;
	[sflag:s23] =	ssyncset.done $0x0  }
0x12f: {  	s28 =	simm.s32 $0x0;
	v16 =	vmov s31;
	[sflag:s23] =	ssyncadd.s32 $0xFFFFE000  }
.LBB2_7:
0x130: {  	s29 =	sshll.u32 s28, $0xB;
	p0 =	por $0x1, $0x1;
	s0 =	simm.s32 $0x0  }
.LBB2_8:
0x131: {  	s3 =	sshll.u32 s0, $0xA  }
0x132: {  	s0 =	sor.u32 s29, s3  }
0x133: {  	v17 =	vld [tilespmem:s0+$0x2400]  }
0x134: {  	v18 =	vld [tilespmem:s0+$0x6400]  }
0x135: {  	v19 =	vld [tilespmem:s0+$0x2410]  }
0x136: {  	v20 =	vld [tilespmem:s0+$0x6410]  }
0x137: {  	v21 =	vld [tilespmem:s0+$0x2420]  }
0x138: {  	v22 =	vld [tilespmem:s0+$0x6420]  }
0x139: {  	v23 =	vld [tilespmem:s0+$0x2430]  }
0x13a: {  	v24 =	vld [tilespmem:s0+$0x6430]  }
0x13b: {  	v25 =	vld [tilespmem:s0+$0x2440]  }
0x13c: {  	v26 =	vld [tilespmem:s0+$0x6440]  }
0x13d: {  	v27 =	vld [tilespmem:s0+$0x2450]  }
0x13e: {  	v28 =	vld [tilespmem:s0+$0x6450]  }
0x13f: {  	v29 =	vld [tilespmem:s0+$0x2460]  }
0x140: {  	v30 =	vld [tilespmem:s0+$0x6460]  }
0x141: {  	v31 =	vld [tilespmem:s0+$0x2470]  }
0x142: {  	v32 =	vld [tilespmem:s0+$0x6470];
	_ =	sdelay $0x1  }
0x143: {  	v17 =	vmul.f32 v18, v17;
	v18 =	vmul.f32 v20, v19  }
0x144: {  	v19 =	vmul.f32 v22, v21;
	v37 =	vmul.f32 v24, v23  }
0x145: {  	v38 =	vmul.f32 v26, v25;
	v39 =	vmul.f32 v28, v27  }
0x146: {  	v40 =	vmul.f32 v30, v29;
	v41 =	vmul.f32 v32, v31  }
0x147: {  	v17 =	vadd.f32 v18, v17;
	v18 =	vadd.f32 v37, v19  }
0x148: {  	v19 =	vadd.f32 v39, v38;
	v42 =	vadd.f32 v41, v40;
	_ =	sdelay $0x1  }
0x149: {  	v17 =	vadd.f32 v18, v17;
	v18 =	vadd.f32 v42, v19;
	_ =	sdelay $0x1  }
0x14a: {  	v17 =	vadd.f32 v18, v17  }
0x14b: {  	s3 =	sand.u32 $0x3FFFFC00, s3  }
0x14c: {  	[tilespmem:s3+$0x8400] =	vst v17  }
0x14d: {  	v17 =	vld [tilespmem:s0+$0x2480]  }
0x14e: {  	v18 =	vld [tilespmem:s0+$0x6480]  }
0x14f: {  	v19 =	vld [tilespmem:s0+$0x2490]  }
0x150: {  	v43 =	vld [tilespmem:s0+$0x6490]  }
0x151: {  	v44 =	vld [tilespmem:s0+$0x24A0]  }
0x152: {  	v45 =	vld [tilespmem:s0+$0x64A0]  }
0x153: {  	v46 =	vld [tilespmem:s0+$0x24B0]  }
0x154: {  	v47 =	vld [tilespmem:s0+$0x64B0]  }
0x155: {  	v48 =	vld [tilespmem:s0+$0x24C0]  }
0x156: {  	v49 =	vld [tilespmem:s0+$0x64C0]  }
0x157: {  	v50 =	vld [tilespmem:s0+$0x24D0]  }
0x158: {  	v51 =	vld [tilespmem:s0+$0x64D0]  }
0x159: {  	v52 =	vld [tilespmem:s0+$0x24E0]  }
0x15a: {  	v53 =	vld [tilespmem:s0+$0x64E0]  }
0x15b: {  	v54 =	vld [tilespmem:s0+$0x24F0]  }
0x15c: {  	v55 =	vld [tilespmem:s0+$0x64F0];
	_ =	sdelay $0x1  }
0x15d: {  	v17 =	vmul.f32 v18, v17;
	v18 =	vmul.f32 v43, v19  }
0x15e: {  	v19 =	vmul.f32 v45, v44;
	v56 =	vmul.f32 v47, v46  }
0x15f: {  	v57 =	vmul.f32 v49, v48;
	v58 =	vmul.f32 v51, v50  }
0x160: {  	v59 =	vmul.f32 v53, v52;
	v60 =	vmul.f32 v55, v54  }
0x161: {  	v17 =	vadd.f32 v18, v17;
	v18 =	vadd.f32 v56, v19  }
0x162: {  	v19 =	vadd.f32 v58, v57;
	v61 =	vadd.f32 v60, v59;
	_ =	sdelay $0x1  }
0x163: {  	v17 =	vadd.f32 v18, v17;
	v18 =	vadd.f32 v61, v19;
	_ =	sdelay $0x1  }
0x164: {  	v17 =	vadd.f32 v18, v17;
	_ =	sdelay $0x1  }
0x165: {  	[tilespmem:s3+$0x8480] =	vst v17  }
0x166: {  	v17 =	vld [tilespmem:s0+$0x2500]  }
0x167: {  	v18 =	vld [tilespmem:s0+$0x6500]  }
0x168: {  	v19 =	vld [tilespmem:s0+$0x2510]  }
0x169: {  	v62 =	vld [tilespmem:s0+$0x6510]  }
0x16a: {  	v63 =	vld [tilespmem:s0+$0x2520]  }
0x16b: {  	v36 =	vld [tilespmem:s0+$0x6520]  }
0x16c: {  	v37 =	vld [tilespmem:s0+$0x2530]  }
0x16d: {  	v38 =	vld [tilespmem:s0+$0x6530]  }
0x16e: {  	v39 =	vld [tilespmem:s0+$0x2540]  }
0x16f: {  	v40 =	vld [tilespmem:s0+$0x6540]  }
0x170: {  	v41 =	vld [tilespmem:s0+$0x2550]  }
0x171: {  	v42 =	vld [tilespmem:s0+$0x6550]  }
0x172: {  	v43 =	vld [tilespmem:s0+$0x2560]  }
0x173: {  	v44 =	vld [tilespmem:s0+$0x6560]  }
0x174: {  	v45 =	vld [tilespmem:s0+$0x2570]  }
0x175: {  	v46 =	vld [tilespmem:s0+$0x6570];
	_ =	sdelay $0x1  }
0x176: {  	v17 =	vmul.f32 v18, v17;
	v18 =	vmul.f32 v62, v19  }
0x177: {  	v19 =	vmul.f32 v36, v63;
	v47 =	vmul.f32 v38, v37  }
0x178: {  	v48 =	vmul.f32 v40, v39;
	v49 =	vmul.f32 v42, v41  }
0x179: {  	v50 =	vmul.f32 v44, v43;
	v51 =	vmul.f32 v46, v45  }
0x17a: {  	v17 =	vadd.f32 v18, v17;
	v18 =	vadd.f32 v47, v19  }
0x17b: {  	v19 =	vadd.f32 v49, v48;
	v52 =	vadd.f32 v51, v50;
	_ =	sdelay $0x1  }
0x17c: {  	v17 =	vadd.f32 v18, v17;
	v18 =	vadd.f32 v52, v19;
	_ =	sdelay $0x1  }
0x17d: {  	v17 =	vadd.f32 v18, v17;
	_ =	sdelay $0x1  }
0x17e: {  	[tilespmem:s3+$0x8500] =	vst v17  }
0x17f: {  	v17 =	vld [tilespmem:s0+$0x2580]  }
0x180: {  	v18 =	vld [tilespmem:s0+$0x6580]  }
0x181: {  	v19 =	vld [tilespmem:s0+$0x2590]  }
0x182: {  	v53 =	vld [tilespmem:s0+$0x6590]  }
0x183: {  	v54 =	vld [tilespmem:s0+$0x25A0]  }
0x184: {  	v55 =	vld [tilespmem:s0+$0x65A0]  }
0x185: {  	v56 =	vld [tilespmem:s0+$0x25B0]  }
0x186: {  	v57 =	vld [tilespmem:s0+$0x65B0]  }
0x187: {  	v58 =	vld [tilespmem:s0+$0x25C0]  }
0x188: {  	v59 =	vld [tilespmem:s0+$0x65C0]  }
0x189: {  	v60 =	vld [tilespmem:s0+$0x25D0]  }
0x18a: {  	v61 =	vld [tilespmem:s0+$0x65D0]  }
0x18b: {  	v62 =	vld [tilespmem:s0+$0x25E0]  }
0x18c: {  	v63 =	vld [tilespmem:s0+$0x65E0]  }
0x18d: {  	v36 =	vld [tilespmem:s0+$0x25F0]  }
0x18e: {  	v37 =	vld [tilespmem:s0+$0x65F0];
	_ =	sdelay $0x1  }
0x18f: {  	v17 =	vmul.f32 v18, v17;
	v18 =	vmul.f32 v53, v19  }
0x190: {  	v19 =	vmul.f32 v55, v54;
	v38 =	vmul.f32 v57, v56  }
0x191: {  	v39 =	vmul.f32 v59, v58;
	v40 =	vmul.f32 v61, v60  }
0x192: {  	v41 =	vmul.f32 v63, v62;
	v42 =	vmul.f32 v37, v36  }
0x193: {  	v17 =	vadd.f32 v18, v17;
	v18 =	vadd.f32 v38, v19  }
0x194: {  	v19 =	vadd.f32 v40, v39;
	v43 =	vadd.f32 v42, v41;
	_ =	sdelay $0x1  }
0x195: {  	v17 =	vadd.f32 v18, v17;
	v18 =	vadd.f32 v43, v19;
	_ =	sdelay $0x1  }
0x196: {  	v17 =	vadd.f32 v18, v17;
	_ =	sdelay $0x1  }
0x197: {  	[tilespmem:s3+$0x8580] =	vst v17  }
0x198: {  	v17 =	vld [tilespmem:s0+$0x2600]  }
0x199: {  	v18 =	vld [tilespmem:s0+$0x6600]  }
0x19a: {  	v19 =	vld [tilespmem:s0+$0x2610]  }
0x19b: {  	v44 =	vld [tilespmem:s0+$0x6610]  }
0x19c: {  	v45 =	vld [tilespmem:s0+$0x2620]  }
0x19d: {  	v46 =	vld [tilespmem:s0+$0x6620]  }
0x19e: {  	v47 =	vld [tilespmem:s0+$0x2630]  }
0x19f: {  	v48 =	vld [tilespmem:s0+$0x6630]  }
0x1a0: {  	v49 =	vld [tilespmem:s0+$0x2640]  }
0x1a1: {  	v50 =	vld [tilespmem:s0+$0x6640]  }
0x1a2: {  	v51 =	vld [tilespmem:s0+$0x2650]  }
0x1a3: {  	v52 =	vld [tilespmem:s0+$0x6650]  }
0x1a4: {  	v53 =	vld [tilespmem:s0+$0x2660]  }
0x1a5: {  	v54 =	vld [tilespmem:s0+$0x6660]  }
0x1a6: {  	v55 =	vld [tilespmem:s0+$0x2670]  }
0x1a7: {  	v56 =	vld [tilespmem:s0+$0x6670];
	_ =	sdelay $0x1  }
0x1a8: {  	v17 =	vmul.f32 v18, v17;
	v18 =	vmul.f32 v44, v19  }
0x1a9: {  	v19 =	vmul.f32 v46, v45;
	v57 =	vmul.f32 v48, v47  }
0x1aa: {  	v58 =	vmul.f32 v50, v49;
	v59 =	vmul.f32 v52, v51  }
0x1ab: {  	v60 =	vmul.f32 v54, v53;
	v61 =	vmul.f32 v56, v55  }
0x1ac: {  	v17 =	vadd.f32 v18, v17;
	v18 =	vadd.f32 v57, v19  }
0x1ad: {  	v19 =	vadd.f32 v59, v58;
	v62 =	vadd.f32 v61, v60;
	_ =	sdelay $0x1  }
0x1ae: {  	v17 =	vadd.f32 v18, v17;
	v18 =	vadd.f32 v62, v19;
	_ =	sdelay $0x1  }
0x1af: {  	v17 =	vadd.f32 v18, v17;
	_ =	sdelay $0x1  }
0x1b0: {  	[tilespmem:s3+$0x8600] =	vst v17  }
0x1b1: {  	v17 =	vld [tilespmem:s0+$0x2680]  }
0x1b2: {  	v18 =	vld [tilespmem:s0+$0x6680]  }
0x1b3: {  	v19 =	vld [tilespmem:s0+$0x2690]  }
0x1b4: {  	v63 =	vld [tilespmem:s0+$0x6690]  }
0x1b5: {  	v36 =	vld [tilespmem:s0+$0x26A0]  }
0x1b6: {  	v37 =	vld [tilespmem:s0+$0x66A0]  }
0x1b7: {  	v38 =	vld [tilespmem:s0+$0x26B0]  }
0x1b8: {  	v39 =	vld [tilespmem:s0+$0x66B0]  }
0x1b9: {  	v40 =	vld [tilespmem:s0+$0x26C0]  }
0x1ba: {  	v41 =	vld [tilespmem:s0+$0x66C0]  }
0x1bb: {  	v42 =	vld [tilespmem:s0+$0x26D0]  }
0x1bc: {  	v43 =	vld [tilespmem:s0+$0x66D0]  }
0x1bd: {  	v44 =	vld [tilespmem:s0+$0x26E0]  }
0x1be: {  	v45 =	vld [tilespmem:s0+$0x66E0]  }
0x1bf: {  	v46 =	vld [tilespmem:s0+$0x26F0]  }
0x1c0: {  	v47 =	vld [tilespmem:s0+$0x66F0];
	_ =	sdelay $0x1  }
0x1c1: {  	v17 =	vmul.f32 v18, v17;
	v18 =	vmul.f32 v63, v19  }
0x1c2: {  	v19 =	vmul.f32 v37, v36;
	v48 =	vmul.f32 v39, v38  }
0x1c3: {  	v49 =	vmul.f32 v41, v40;
	v50 =	vmul.f32 v43, v42  }
0x1c4: {  	v51 =	vmul.f32 v45, v44;
	v52 =	vmul.f32 v47, v46  }
0x1c5: {  	v17 =	vadd.f32 v18, v17;
	v18 =	vadd.f32 v48, v19  }
0x1c6: {  	v19 =	vadd.f32 v50, v49;
	v53 =	vadd.f32 v52, v51;
	_ =	sdelay $0x1  }
0x1c7: {  	v17 =	vadd.f32 v18, v17;
	v18 =	vadd.f32 v53, v19;
	_ =	sdelay $0x1  }
0x1c8: {  	v17 =	vadd.f32 v18, v17;
	_ =	sdelay $0x1  }
0x1c9: {  	[tilespmem:s3+$0x8680] =	vst v17  }
0x1ca: {  	v17 =	vld [tilespmem:s0+$0x2700]  }
0x1cb: {  	v18 =	vld [tilespmem:s0+$0x6700]  }
0x1cc: {  	v19 =	vld [tilespmem:s0+$0x2710]  }
0x1cd: {  	v54 =	vld [tilespmem:s0+$0x6710]  }
0x1ce: {  	v55 =	vld [tilespmem:s0+$0x2720]  }
0x1cf: {  	v56 =	vld [tilespmem:s0+$0x6720]  }
0x1d0: {  	v57 =	vld [tilespmem:s0+$0x2730]  }
0x1d1: {  	v58 =	vld [tilespmem:s0+$0x6730]  }
0x1d2: {  	v59 =	vld [tilespmem:s0+$0x2740]  }
0x1d3: {  	v60 =	vld [tilespmem:s0+$0x6740]  }
0x1d4: {  	v61 =	vld [tilespmem:s0+$0x2750]  }
0x1d5: {  	v62 =	vld [tilespmem:s0+$0x6750]  }
0x1d6: {  	v63 =	vld [tilespmem:s0+$0x2760]  }
0x1d7: {  	v36 =	vld [tilespmem:s0+$0x6760]  }
0x1d8: {  	v37 =	vld [tilespmem:s0+$0x2770]  }
0x1d9: {  	v38 =	vld [tilespmem:s0+$0x6770];
	_ =	sdelay $0x1  }
0x1da: {  	v17 =	vmul.f32 v18, v17;
	v18 =	vmul.f32 v54, v19  }
0x1db: {  	v19 =	vmul.f32 v56, v55;
	v39 =	vmul.f32 v58, v57  }
0x1dc: {  	v40 =	vmul.f32 v60, v59;
	v41 =	vmul.f32 v62, v61  }
0x1dd: {  	v42 =	vmul.f32 v36, v63;
	v43 =	vmul.f32 v38, v37  }
0x1de: {  	v17 =	vadd.f32 v18, v17;
	v18 =	vadd.f32 v39, v19  }
0x1df: {  	v19 =	vadd.f32 v41, v40;
	v44 =	vadd.f32 v43, v42;
	_ =	sdelay $0x1  }
0x1e0: {  	v17 =	vadd.f32 v18, v17;
	v18 =	vadd.f32 v44, v19;
	_ =	sdelay $0x1  }
0x1e1: {  	v17 =	vadd.f32 v18, v17;
	_ =	sdelay $0x1  }
0x1e2: {  	[tilespmem:s3+$0x8700] =	vst v17  }
0x1e3: {  	v17 =	vld [tilespmem:s0+$0x2780]  }
0x1e4: {  	v18 =	vld [tilespmem:s0+$0x6780]  }
0x1e5: {  	v19 =	vld [tilespmem:s0+$0x2790]  }
0x1e6: {  	v45 =	vld [tilespmem:s0+$0x6790]  }
0x1e7: {  	v46 =	vld [tilespmem:s0+$0x27A0]  }
0x1e8: {  	v47 =	vld [tilespmem:s0+$0x67A0]  }
0x1e9: {  	v48 =	vld [tilespmem:s0+$0x27B0]  }
0x1ea: {  	v49 =	vld [tilespmem:s0+$0x67B0]  }
0x1eb: {  	v50 =	vld [tilespmem:s0+$0x27C0]  }
0x1ec: {  	v51 =	vld [tilespmem:s0+$0x67C0]  }
0x1ed: {  	v52 =	vld [tilespmem:s0+$0x27D0]  }
0x1ee: {  	v53 =	vld [tilespmem:s0+$0x67D0]  }
0x1ef: {  	v54 =	vld [tilespmem:s0+$0x27E0]  }
0x1f0: {  	v55 =	vld [tilespmem:s0+$0x67E0]  }
0x1f1: {  	v56 =	vld [tilespmem:s0+$0x27F0]  }
0x1f2: {  	v57 =	vld [tilespmem:s0+$0x67F0];
	_ =	sdelay $0x1  }
0x1f3: {  	v17 =	vmul.f32 v18, v17;
	v18 =	vmul.f32 v45, v19  }
0x1f4: {  	v19 =	vmul.f32 v47, v46;
	v58 =	vmul.f32 v49, v48  }
0x1f5: {  	v59 =	vmul.f32 v51, v50;
	v60 =	vmul.f32 v53, v52  }
0x1f6: {  	v61 =	vmul.f32 v55, v54;
	v62 =	vmul.f32 v57, v56  }
0x1f7: {  	v17 =	vadd.f32 v18, v17;
	v18 =	vadd.f32 v58, v19  }
0x1f8: {  	v19 =	vadd.f32 v60, v59;
	v63 =	vadd.f32 v62, v61  }
0x1f9: {  	p1 =	por p0, p0  }
.Ltmp2:
0x1fa: {  	v17 =	vadd.f32 v18, v17;
	v18 =	vadd.f32 v63, v19;
	(pc) =	sbr.rel @p1 .LBB2_8-.Ltmp2, $3  }
0x1fb: {  	_ = 	snop  }
0x1fc: {  	v17 =	vadd.f32 v18, v17;
	_ =	sdelay $0x1  }
0x1fd: {  	p0 =	por $0x0, $0x0;
	s0 =	simm.s32 $0x1;
	[tilespmem:s3+$0x8780] =	vst v17  }
0x1fe: {  	_ =	sdelay $0x3  }
0x1ff: {  	v17 =	vld.idx.msk [tilespmem:v0+s21+$0x0], $0xffff  }
0x200: {  	v18 =	vld.idx.msk [tilespmem:v1+s21+$0x0], $0xffff  }
0x201: {  	v19 =	vld.idx.msk [tilespmem:v2+s21+$0x0], $0xffff  }
0x202: {  	v20 =	vld.idx.msk [tilespmem:v3+s21+$0x0], $0xffff  }
0x203: {  	v21 =	vld.idx.msk [tilespmem:v4+s21+$0x0], $0xffff  }
0x204: {  	v22 =	vld.idx.msk [tilespmem:v5+s21+$0x0], $0xffff  }
0x205: {  	v23 =	vld.idx.msk [tilespmem:v6+s21+$0x0], $0xffff  }
0x206: {  	v24 =	vld.idx.msk [tilespmem:v7+s21+$0x0], $0xffff  }
0x207: {  	v25 =	vld.idx.msk [tilespmem:v8+s21+$0x0], $0xffff  }
0x208: {  	v26 =	vld.idx.msk [tilespmem:v9+s21+$0x0], $0xffff  }
0x209: {  	v27 =	vld.idx.msk [tilespmem:v10+s21+$0x0], $0xffff  }
0x20a: {  	v28 =	vld.idx.msk [tilespmem:v11+s21+$0x0], $0xffff  }
0x20b: {  	v29 =	vld.idx.msk [tilespmem:v12+s21+$0x0], $0xffff  }
0x20c: {  	v30 =	vld.idx.msk [tilespmem:v13+s21+$0x0], $0xffff  }
0x20d: {  	v31 =	vld.idx.msk [tilespmem:v14+s21+$0x0], $0xffff  }
0x20e: {  	v32 =	vld.idx.msk [tilespmem:v15+s21+$0x0], $0xffff;
	_ =	sdelay $0x1  }
0x20f: {  	v17 =	vadd.f32 v18, v17;
	v18 =	vadd.f32 v20, v19  }
0x210: {  	v19 =	vadd.f32 v22, v21;
	v58 =	vadd.f32 v24, v23  }
0x211: {  	v59 =	vadd.f32 v26, v25;
	v60 =	vadd.f32 v28, v27  }
0x212: {  	v61 =	vadd.f32 v30, v29;
	v62 =	vadd.f32 v32, v31  }
0x213: {  	v17 =	vadd.f32 v18, v17;
	v18 =	vadd.f32 v58, v19  }
0x214: {  	v19 =	vadd.f32 v60, v59;
	v63 =	vadd.f32 v62, v61;
	_ =	sdelay $0x1  }
0x215: {  	v17 =	vadd.f32 v18, v17;
	v18 =	vadd.f32 v63, v19;
	_ =	sdelay $0x1  }
0x216: {  	v17 =	vadd.f32 v18, v17;
	_ =	sdelay $0x1  }
0x217: {  	v17 =	vsub.f32 $0.0e+00, v17;
	_ =	sdelay $0x1  }
0x218: {  	v17 =	vmul.f32 $1.442695020e+00, v17;
	_ =	sdelay $0x1  }
0x219: {  	(erf) = vpow2.f32 v17;
	_ =	sdelay $0x8  }
0x21a: {  	v17 =	vpop (erf)  }
0x21b: {  	v17 =	vadd.f32 $1.000000000e+00, v17;
	_ =	sdelay $0x1  }
0x21c: {  	(erf) = vrcp.f32 v17;
	_ =	sdelay $0x5  }
0x21d: {  	s0 =	sshll.u32 s28, $0x4;
	s28 =	sadd.s32 $0x1, s28  }
0x21e: {  	p0 =	sne.s32 s28, $0x4  }
.Ltmp3:
0x21f: {  	_ = 	snop;
	(pc) =	sbr.rel @p0 .LBB2_7-.Ltmp3, $4  }
0x220: {  	v17 =	vpop (erf)  }
0x221: {  	v17 =	vmul.f32 $1.000000000e+01, v17  }
0x222: {  	s0 =	sand.u32 $0x3FFFFFF0, s0  }
0x223: {  	[tilespmem:v16+s0+$0x0 ss:$0x1] =	vst.idx.msk $0xffff, v17  }
0x224: {  	s26 =	sadd.s32 $0x1, s26  }
0x225: {  	p0 =	sne.s32 s26, $0x4  }
.Ltmp4:
0x226: {  	_ = 	snop;
	(pc) =	sbr.rel @p0 .LBB2_2-.Ltmp4, $1  }
0x227: {  	_ =	sdelay $0x3  }
0x228: {  	s25 =	sadd.s32 $0x1, s25  }
0x229: {  	p0 =	sne.s32 s25, s10  }
.Ltmp5:
0x22a: {  	_ = 	snop;
	(pc) =	sbr.rel @p0 .LBB2_1-.Ltmp5, $4  }
0x22b: {  	[hbm4b:s9+s4] =	stream.linear.scatter [tilespmem:s24], [sflag:$0x5], $0x200, $0x38;
	[tilespmem:$0x8E00] =	vst v63  }
0x22c: {  	_ =	swait.ge [sflag:s17], $0x200  }
0x22d: {  	[sflag:s17] =	ssyncset.done $0x0  }
0x22e: {  	[sflag:s17] =	ssyncadd.s32 $0xFFFFFE00  }
0x22f: {  	_ =	sfence.sel $0x180000  }
0x230: {  	[bflag:$0x0] =	sbarrier.arrive $0xFFFF  }
0x231: {  	_ =	strace $0x90000047  }
0x232: {  	s0 =	stileid.u32;
	[bflag:$0x2] =	sbarrier.arrive $0xFFFF  }
0x233: {  	p0 =	sne.s32 s0, $0x0;
	s0 =	rddreg [dreg:$0x5]  }
0x234: {  	s0 =	sadd.s32 @!p0 $0x100000, s0  }
0x235: {  	[sflag:s0] =	ssyncadd.tile.s32 @!p0 $0x1;
	_ =	shalt  }
.Lfunc_end2:
_tile_overlayer_lowered:
.L_overlay_start_2:
0x236: {  	(tag) =	ssettag $0x2  }
0x237: {  	s0 =	rddreg [dreg:$0x0];
	s2 =	stileid.u32  }
0x238: {  	s1 =	rddreg [dreg:$0x1];
	p0 =	sne.s32 s2, $0x0  }
0x239: {  	s3 =	rddreg [dreg:$0x2];
	[bflag:$0x3] =	sbarrier.arrive $0xFFFF;
	s2 =	simm.s32 @!p0 $0x1C05  }
0x23a: {  	[timem:s3], [sflag:s2] =	dma.local @!p0 [hbm:s0], s1  }
0x23b: {  	s0 =	simm.s32 @!p0 $0x5  }
0x23c: {  	_ =	swait.ge @!p0 [sflag:s0], s1  }
0x23d: {  	s1 =	ssub.s32 @!p0 $0x0, s1;
	[sflag:s0] =	ssyncset.done @!p0 $0x0  }
0x23e: {  	[sflag:s0] =	ssyncadd.s32 @!p0 s1  }
0x23f: {  	[bflag:$0x3] =	sbarrier.arrive $0xFFFF  }
0x240: {  	_ =	shalt  }

</sc_bundles>
